<compile_context>
chip_gen: v7x
topology: tpu7x:2x2x1
jax: 0.10.2.dev20260603
libtpu: 0.0.44.dev20260713+nightly
codegen_flags: <defaults>
</compile_context>

<pallas_src>
import functools

import jax
import jax.numpy as jnp
from jax import lax
from jax.experimental import pallas as pl
from jax.experimental.pallas import tpu as pltpu
from jax.experimental.pallas import tpu_sc as plsc

N_IDX = 3276800
DIM_EMB = 16

_info = plsc.get_sparse_core_info()
_NC, _NS = _info.num_cores, _info.num_subcores
_NW = _NC * _NS

_B_PER_W = N_IDX // _NW
_CHUNK = 2048
_STEPS = _B_PER_W // _CHUNK
_NBUF = 2


def _gather_kernel(idx_hbm, table_hbm, out_hbm, idx_v, rows_v,
                   sem_idx, sem_g, sem_o):
    wid = lax.axis_index("s") * _NC + lax.axis_index("c")
    base = wid * _B_PER_W

    for b in range(_NBUF):
        pltpu.async_copy(
            idx_hbm.at[pl.ds(base + b * _CHUNK, _CHUNK)],
            idx_v.at[b], sem_idx.at[b])

    def body(j, carry):
        for b in range(_NBUF):
            i = j * _NBUF + b
            off = base + i * _CHUNK
            pltpu.make_async_copy(
                idx_hbm.at[pl.ds(off, _CHUNK)], idx_v.at[b],
                sem_idx.at[b]).wait()

            @pl.when(j > 0)
            def _():
                prev = off - _NBUF * _CHUNK
                pltpu.make_async_copy(
                    rows_v.at[b], out_hbm.at[pl.ds(prev, _CHUNK)],
                    sem_o.at[b]).wait()

            pltpu.async_copy(
                table_hbm.at[idx_v.at[b]], rows_v.at[b], sem_g.at[b])

        for b in range(_NBUF):
            i = j * _NBUF + b
            off = base + i * _CHUNK
            pltpu.make_async_copy(
                table_hbm.at[idx_v.at[b]], rows_v.at[b], sem_g.at[b]).wait()

            @pl.when(i + _NBUF < _STEPS)
            def _():
                noff = off + _NBUF * _CHUNK
                pltpu.async_copy(
                    idx_hbm.at[pl.ds(noff, _CHUNK)], idx_v.at[b],
                    sem_idx.at[b])

            pltpu.async_copy(
                rows_v.at[b], out_hbm.at[pl.ds(off, _CHUNK)], sem_o.at[b])
        return carry

    lax.fori_loop(0, _STEPS // _NBUF, body, 0)

    for b in range(_NBUF):
        off = base + (_STEPS - _NBUF + b) * _CHUNK
        pltpu.make_async_copy(
            rows_v.at[b], out_hbm.at[pl.ds(off, _CHUNK)], sem_o.at[b]).wait()


def kernel(node_classes, embedding):
    mesh = plsc.VectorSubcoreMesh(core_axis_name="c", subcore_axis_name="s")
    run = functools.partial(
        pl.kernel,
        mesh=mesh,
        out_type=jax.ShapeDtypeStruct((N_IDX, DIM_EMB), jnp.float32),
        scratch_types=[
            pltpu.VMEM((_NBUF, _CHUNK), jnp.int32),
            pltpu.VMEM((_NBUF, _CHUNK, DIM_EMB), jnp.float32),
            pltpu.SemaphoreType.DMA((_NBUF,)),
            pltpu.SemaphoreType.DMA((_NBUF,)),
            pltpu.SemaphoreType.DMA((_NBUF,)),
        ],
        compiler_params=pltpu.CompilerParams(use_tc_tiling_on_sc=False),
    )(_gather_kernel)
    return run(node_classes.astype(jnp.int32), embedding)

# --- scband reference (transcript-rebuilt; emitter-appended) ---
"""Pipeline reference for scband-feature-builder-40140764348598 (READ-ONLY COPY).

The authoritative reference and input builder live on the scoring server;
editing this copy changes nothing except your own understanding.
"""

import jax, jax.numpy as jnp
import numpy as np

NUM_NODE_CLASSES = 1000000
DIM_EMB = 16
N_IDX = 3276800

def setup_inputs(seed: int = 0) -> dict:
    key = jax.random.key(seed)
    k1, k2 = jax.random.split(key)
    node_classes = jax.random.randint(k1, (N_IDX,), 0, NUM_NODE_CLASSES, dtype=jnp.int64 if jax.config.jax_enable_x64 else jnp.int32)
    embedding = jax.random.normal(k2, (NUM_NODE_CLASSES, DIM_EMB), dtype=jnp.float32)
    return {"node_classes": node_classes, "embedding": embedding}

def reference(node_classes, embedding):
    # node_emb_type == 'class': simple embedding lookup per node class
    node_emb = jnp.take(embedding, node_classes, axis=0)
    return node_emb

if __name__ == "__main__":
    import jax
    _d = setup_inputs()
    print(jax.jit(kernel)(*tuple(_d.values())))

</pallas_src>

<mosaic_0001>
#map = affine_map<(d0, d1) -> (0)>
#map1 = affine_map<(d0, d1) -> (0, 0)>
module attributes {stable_mosaic.version = 14 : i64} {
  func.func @_gather_kernel(%arg0: i32, %arg1: i32, %arg2: memref<3276800xi32, #tpu.memory_space<hbm>>, %arg3: memref<1000000x16xf32, #tpu.memory_space<hbm>>, %arg4: memref<3276800x16xf32, #tpu.memory_space<hbm>>, %arg5: memref<2x2048xi32, #tpu.memory_space<vmem>>, %arg6: memref<2x2048x16xf32, #tpu.memory_space<vmem>>, %arg7: memref<2x!tpu.dma_semaphore, #tpu.memory_space<semaphore_mem>>, %arg8: memref<2x!tpu.dma_semaphore, #tpu.memory_space<semaphore_mem>>, %arg9: memref<2x!tpu.dma_semaphore, #tpu.memory_space<semaphore_mem>>) attributes {dimension_semantics = [#tpu.dimension_semantics<core_parallel>, #tpu.dimension_semantics<subcore_parallel>], iteration_bounds = array<i64: 2, 16>, scalar_prefetch = 0 : i64, scratch_operands = 5 : i64, tpu.core_type = #tpu.core_type<sc_vector_subcore>, window_params = [{transform_indices = #map}, {transform_indices = #map1}, {transform_indices = #map1}]} {
    %mul3A = arith.constant 2 : i32
    %mul3A_0 = arith.muli %arg1, %mul3A : i32
    %add3A = arith.addi %mul3A_0, %arg0 : i32
    %mul3A_1 = arith.constant 102400 : i32
    %mul3A_2 = arith.muli %add3A, %mul3A_1 : i32
    %add3A_3 = arith.constant 0 : i32
    %add3A_4 = arith.addi %mul3A_2, %add3A_3 : i32
    %dma_start3A = arith.constant 0 : i32
    %dma_start3A_5 = arith.constant 0 : i32
    %dma_start3A_6 = arith.constant 0 : i32
    %dma_start3A_7 = tpu.memref_slice %arg5[%dma_start3A, %dma_start3A_6] : memref<2x2048xi32, #tpu.memory_space<vmem>> -> memref<1x2048xi32, #tpu.memory_space<vmem>>
    %dma_start3A_8 = tpu.memref_squeeze %dma_start3A_7 : memref<1x2048xi32, #tpu.memory_space<vmem>> -> memref<2048xi32, #tpu.memory_space<vmem>>
    %dma_start3A_9 = tpu.memref_slice %arg2[%add3A_4] : memref<3276800xi32, #tpu.memory_space<hbm>> -> memref<2048xi32, #tpu.memory_space<hbm>>
    %dma_start3A_10 = tpu.memref_slice %arg7[%dma_start3A_5] : memref<2x!tpu.dma_semaphore, #tpu.memory_space<semaphore_mem>> -> memref<1x!tpu.dma_semaphore, #tpu.memory_space<semaphore_mem>>
    %dma_start3A_11 = tpu.memref_squeeze %dma_start3A_10 : memref<1x!tpu.dma_semaphore, #tpu.memory_space<semaphore_mem>> -> memref<!tpu.dma_semaphore, #tpu.memory_space<semaphore_mem>>
    %dma_start3A_12 = arith.constant 0 : i32
    %dma_start3A_13 = tpu.memref_slice %arg5[%dma_start3A, %dma_start3A_12] : memref<2x2048xi32, #tpu.memory_space<vmem>> -> memref<1x2048xi32, #tpu.memory_space<vmem>>
    %dma_start3A_14 = tpu.memref_squeeze %dma_start3A_13 : memref<1x2048xi32, #tpu.memory_space<vmem>> -> memref<2048xi32, #tpu.memory_space<vmem>>
    %dma_start3A_15 = tpu.memref_slice %arg2[%add3A_4] : memref<3276800xi32, #tpu.memory_space<hbm>> -> memref<2048xi32, #tpu.memory_space<hbm>>
    tpu.enqueue_dma source(%dma_start3A_15 : memref<2048xi32, #tpu.memory_space<hbm>>) target(%dma_start3A_14 : memref<2048xi32, #tpu.memory_space<vmem>>) target_semaphore(%dma_start3A_11 : memref<!tpu.dma_semaphore, #tpu.memory_space<semaphore_mem>>)
    %add3A_16 = arith.constant 2048 : i32
    %add3A_17 = arith.addi %mul3A_2, %add3A_16 : i32
    %dma_start3A_18 = arith.constant 1 : i32
    %dma_start3A_19 = arith.constant 1 : i32
    %dma_start3A_20 = arith.constant 0 : i32
    %dma_start3A_21 = tpu.memref_slice %arg5[%dma_start3A_18, %dma_start3A_20] : memref<2x2048xi32, #tpu.memory_space<vmem>> -> memref<1x2048xi32, #tpu.memory_space<vmem>>
    %dma_start3A_22 = tpu.memref_squeeze %dma_start3A_21 : memref<1x2048xi32, #tpu.memory_space<vmem>> -> memref<2048xi32, #tpu.memory_space<vmem>>
    %dma_start3A_23 = tpu.memref_slice %arg2[%add3A_17] : memref<3276800xi32, #tpu.memory_space<hbm>> -> memref<2048xi32, #tpu.memory_space<hbm>>
    %dma_start3A_24 = tpu.memref_slice %arg7[%dma_start3A_19] : memref<2x!tpu.dma_semaphore, #tpu.memory_space<semaphore_mem>> -> memref<1x!tpu.dma_semaphore, #tpu.memory_space<semaphore_mem>>
    %dma_start3A_25 = tpu.memref_squeeze %dma_start3A_24 : memref<1x!tpu.dma_semaphore, #tpu.memory_space<semaphore_mem>> -> memref<!tpu.dma_semaphore, #tpu.memory_space<semaphore_mem>>
    %dma_start3A_26 = arith.constant 0 : i32
    %dma_start3A_27 = tpu.memref_slice %arg5[%dma_start3A_18, %dma_start3A_26] : memref<2x2048xi32, #tpu.memory_space<vmem>> -> memref<1x2048xi32, #tpu.memory_space<vmem>>
    %dma_start3A_28 = tpu.memref_squeeze %dma_start3A_27 : memref<1x2048xi32, #tpu.memory_space<vmem>> -> memref<2048xi32, #tpu.memory_space<vmem>>
    %dma_start3A_29 = tpu.memref_slice %arg2[%add3A_17] : memref<3276800xi32, #tpu.memory_space<hbm>> -> memref<2048xi32, #tpu.memory_space<hbm>>
    tpu.enqueue_dma source(%dma_start3A_29 : memref<2048xi32, #tpu.memory_space<hbm>>) target(%dma_start3A_28 : memref<2048xi32, #tpu.memory_space<vmem>>) target_semaphore(%dma_start3A_25 : memref<!tpu.dma_semaphore, #tpu.memory_space<semaphore_mem>>)
    %scan3A = arith.constant 0 : i32
    %scan3A_30 = arith.constant 0 : i32
    %scan3A_31 = arith.constant 25 : i32
    %scan3A_32 = arith.addi %scan3A_30, %scan3A_31 : i32
    %scan3A_33 = arith.constant 1 : i32
    scf.for %scan3A_70 = %scan3A_30 to %scan3A_32 step %scan3A_33  : i32 {
      %mul3A_71 = arith.constant 2 : i32
      %mul3A_72 = arith.muli %scan3A_70, %mul3A_71 : i32
      %add3A_73 = arith.constant 0 : i32
      %add3A_74 = arith.addi %mul3A_72, %add3A_73 : i32
      %mul3A_75 = arith.constant 2048 : i32
      %mul3A_76 = arith.muli %add3A_74, %mul3A_75 : i32
      %add3A_77 = arith.addi %mul3A_2, %mul3A_76 : i32
      %dma_wait3A_78 = arith.constant 0 : i32
      %dma_wait3A_79 = arith.constant 0 : i32
      %dma_wait3A_80 = arith.constant 0 : i32
      %dma_wait3A_81 = tpu.memref_slice %arg5[%dma_wait3A_78, %dma_wait3A_80] : memref<2x2048xi32, #tpu.memory_space<vmem>> -> memref<1x2048xi32, #tpu.memory_space<vmem>>
      %dma_wait3A_82 = tpu.memref_squeeze %dma_wait3A_81 : memref<1x2048xi32, #tpu.memory_space<vmem>> -> memref<2048xi32, #tpu.memory_space<vmem>>
      %dma_wait3A_83 = tpu.memref_slice %arg2[%add3A_77] : memref<3276800xi32, #tpu.memory_space<hbm>> -> memref<2048xi32, #tpu.memory_space<hbm>>
      %dma_wait3A_84 = tpu.memref_slice %arg7[%dma_wait3A_79] : memref<2x!tpu.dma_semaphore, #tpu.memory_space<semaphore_mem>> -> memref<1x!tpu.dma_semaphore, #tpu.memory_space<semaphore_mem>>
      %dma_wait3A_85 = tpu.memref_squeeze %dma_wait3A_84 : memref<1x!tpu.dma_semaphore, #tpu.memory_space<semaphore_mem>> -> memref<!tpu.dma_semaphore, #tpu.memory_space<semaphore_mem>>
      %dma_wait3A_86 = arith.constant 0 : i32
      %dma_wait3A_87 = tpu.memref_slice %arg5[%dma_wait3A_78, %dma_wait3A_86] : memref<2x2048xi32, #tpu.memory_space<vmem>> -> memref<1x2048xi32, #tpu.memory_space<vmem>>
      %dma_wait3A_88 = tpu.memref_squeeze %dma_wait3A_87 : memref<1x2048xi32, #tpu.memory_space<vmem>> -> memref<2048xi32, #tpu.memory_space<vmem>>
      %dma_wait3A_89 = tpu.memref_slice %arg2[%add3A_77] : memref<3276800xi32, #tpu.memory_space<hbm>> -> memref<2048xi32, #tpu.memory_space<hbm>>
      tpu.wait_dma2 semaphore(%dma_wait3A_85 : memref<!tpu.dma_semaphore, #tpu.memory_space<semaphore_mem>>) src(%dma_wait3A_89 : memref<2048xi32, #tpu.memory_space<hbm>>) dst(%dma_wait3A_88 : memref<2048xi32, #tpu.memory_space<vmem>>)
      %gt3A = arith.constant 0 : i32
      %gt3A_90 = arith.cmpi sgt, %scan3A_70, %gt3A : i32
      %convert_element_type3A = arith.extui %gt3A_90 : i1 to i32
      %cond3A = arith.constant 0 : i32
      %cond3A_91 = arith.cmpi ne, %convert_element_type3A, %cond3A : i32
      scf.if %cond3A_91 {
        %sub3A = arith.constant 4096 : i32
        %sub3A_235 = arith.subi %add3A_77, %sub3A : i32
        %dma_wait3A_236 = arith.constant 0 : i32
        %dma_wait3A_237 = arith.constant 0 : i32
        %dma_wait3A_238 = arith.constant 0 : i32
        %dma_wait3A_239 = arith.constant 0 : i32
        %dma_wait3A_240 = tpu.memref_slice %arg6[%dma_wait3A_236, %dma_wait3A_238, %dma_wait3A_239] : memref<2x2048x16xf32, #tpu.memory_space<vmem>> -> memref<1x2048x16xf32, #tpu.memory_space<vmem>>
        %dma_wait3A_241 = tpu.memref_squeeze %dma_wait3A_240 : memref<1x2048x16xf32, #tpu.memory_space<vmem>> -> memref<2048x16xf32, #tpu.memory_space<vmem>>
        %dma_wait3A_242 = arith.constant 0 : i32
        %dma_wait3A_243 = tpu.memref_slice %arg4[%sub3A_235, %dma_wait3A_242] : memref<3276800x16xf32, #tpu.memory_space<hbm>> -> memref<2048x16xf32, #tpu.memory_space<hbm>>
        %dma_wait3A_244 = tpu.memref_slice %arg9[%dma_wait3A_237] : memref<2x!tpu.dma_semaphore, #tpu.memory_space<semaphore_mem>> -> memref<1x!tpu.dma_semaphore, #tpu.memory_space<semaphore_mem>>
        %dma_wait3A_245 = tpu.memref_squeeze %dma_wait3A_244 : memref<1x!tpu.dma_semaphore, #tpu.memory_space<semaphore_mem>> -> memref<!tpu.dma_semaphore, #tpu.memory_space<semaphore_mem>>
        %dma_wait3A_246 = arith.constant 0 : i32
        %dma_wait3A_247 = tpu.memref_slice %arg4[%sub3A_235, %dma_wait3A_246] : memref<3276800x16xf32, #tpu.memory_space<hbm>> -> memref<2048x16xf32, #tpu.memory_space<hbm>>
        %dma_wait3A_248 = arith.constant 0 : i32
        %dma_wait3A_249 = arith.constant 0 : i32
        %dma_wait3A_250 = tpu.memref_slice %arg6[%dma_wait3A_236, %dma_wait3A_248, %dma_wait3A_249] : memref<2x2048x16xf32, #tpu.memory_space<vmem>> -> memref<1x2048x16xf32, #tpu.memory_space<vmem>>
        %dma_wait3A_251 = tpu.memref_squeeze %dma_wait3A_250 : memref<1x2048x16xf32, #tpu.memory_space<vmem>> -> memref<2048x16xf32, #tpu.memory_space<vmem>>
        tpu.wait_dma2 semaphore(%dma_wait3A_245 : memref<!tpu.dma_semaphore, #tpu.memory_space<semaphore_mem>>) src(%dma_wait3A_251 : memref<2048x16xf32, #tpu.memory_space<vmem>>) dst(%dma_wait3A_247 : memref<2048x16xf32, #tpu.memory_space<hbm>>)
      } else {
      }
      %dma_start3A_92 = arith.constant 0 : i32
      %dma_start3A_93 = arith.constant 0 : i32
      %dma_start3A_94 = arith.constant 0 : i32
      %dma_start3A_95 = arith.constant 0 : i32
      %dma_start3A_96 = arith.constant 0 : i32
      %dma_start3A_97 = tpu.memref_slice %arg6[%dma_start3A_93, %dma_start3A_95, %dma_start3A_96] : memref<2x2048x16xf32, #tpu.memory_space<vmem>> -> memref<1x2048x16xf32, #tpu.memory_space<vmem>>
      %dma_start3A_98 = tpu.memref_squeeze %dma_start3A_97 : memref<1x2048x16xf32, #tpu.memory_space<vmem>> -> memref<2048x16xf32, #tpu.memory_space<vmem>>
      %dma_start3A_99 = arith.constant 0 : i32
      %dma_start3A_100 = tpu.memref_slice %arg5[%dma_start3A_92, %dma_start3A_99] : memref<2x2048xi32, #tpu.memory_space<vmem>> -> memref<1x2048xi32, #tpu.memory_space<vmem>>
      %dma_start3A_101 = tpu.memref_squeeze %dma_start3A_100 : memref<1x2048xi32, #tpu.memory_space<vmem>> -> memref<2048xi32, #tpu.memory_space<vmem>>
      %dma_start3A_102 = arith.constant 0 : i32
      %dma_start3A_103 = arith.constant 0 : i32
      %dma_start3A_104 = tpu.memref_slice %arg3[%dma_start3A_102, %dma_start3A_103] : memref<1000000x16xf32, #tpu.memory_space<hbm>> -> memref<1000000x16xf32, #tpu.memory_space<hbm>>
      %dma_start3A_105 = tpu.memref_slice %arg8[%dma_start3A_94] : memref<2x!tpu.dma_semaphore, #tpu.memory_space<semaphore_mem>> -> memref<1x!tpu.dma_semaphore, #tpu.memory_space<semaphore_mem>>
      %dma_start3A_106 = tpu.memref_squeeze %dma_start3A_105 : memref<1x!tpu.dma_semaphore, #tpu.memory_space<semaphore_mem>> -> memref<!tpu.dma_semaphore, #tpu.memory_space<semaphore_mem>>
      tpu.enqueue_indirect_dma source(%dma_start3A_104 : memref<1000000x16xf32, #tpu.memory_space<hbm>>) target(%dma_start3A_98 : memref<2048x16xf32, #tpu.memory_space<vmem>>) offsets(%dma_start3A_101 : memref<2048xi32, #tpu.memory_space<vmem>>) semaphore(%dma_start3A_106 : memref<!tpu.dma_semaphore, #tpu.memory_space<semaphore_mem>>)
      %mul3A_107 = arith.constant 2 : i32
      %mul3A_108 = arith.muli %scan3A_70, %mul3A_107 : i32
      %add3A_109 = arith.constant 1 : i32
      %add3A_110 = arith.addi %mul3A_108, %add3A_109 : i32
      %mul3A_111 = arith.constant 2048 : i32
      %mul3A_112 = arith.muli %add3A_110, %mul3A_111 : i32
      %add3A_113 = arith.addi %mul3A_2, %mul3A_112 : i32
      %dma_wait3A_114 = arith.constant 1 : i32
      %dma_wait3A_115 = arith.constant 1 : i32
      %dma_wait3A_116 = arith.constant 0 : i32
      %dma_wait3A_117 = tpu.memref_slice %arg5[%dma_wait3A_114, %dma_wait3A_116] : memref<2x2048xi32, #tpu.memory_space<vmem>> -> memref<1x2048xi32, #tpu.memory_space<vmem>>
      %dma_wait3A_118 = tpu.memref_squeeze %dma_wait3A_117 : memref<1x2048xi32, #tpu.memory_space<vmem>> -> memref<2048xi32, #tpu.memory_space<vmem>>
      %dma_wait3A_119 = tpu.memref_slice %arg2[%add3A_113] : memref<3276800xi32, #tpu.memory_space<hbm>> -> memref<2048xi32, #tpu.memory_space<hbm>>
      %dma_wait3A_120 = tpu.memref_slice %arg7[%dma_wait3A_115] : memref<2x!tpu.dma_semaphore, #tpu.memory_space<semaphore_mem>> -> memref<1x!tpu.dma_semaphore, #tpu.memory_space<semaphore_mem>>
      %dma_wait3A_121 = tpu.memref_squeeze %dma_wait3A_120 : memref<1x!tpu.dma_semaphore, #tpu.memory_space<semaphore_mem>> -> memref<!tpu.dma_semaphore, #tpu.memory_space<semaphore_mem>>
      %dma_wait3A_122 = arith.constant 0 : i32
      %dma_wait3A_123 = tpu.memref_slice %arg5[%dma_wait3A_114, %dma_wait3A_122] : memref<2x2048xi32, #tpu.memory_space<vmem>> -> memref<1x2048xi32, #tpu.memory_space<vmem>>
      %dma_wait3A_124 = tpu.memref_squeeze %dma_wait3A_123 : memref<1x2048xi32, #tpu.memory_space<vmem>> -> memref<2048xi32, #tpu.memory_space<vmem>>
      %dma_wait3A_125 = tpu.memref_slice %arg2[%add3A_113] : memref<3276800xi32, #tpu.memory_space<hbm>> -> memref<2048xi32, #tpu.memory_space<hbm>>
      tpu.wait_dma2 semaphore(%dma_wait3A_121 : memref<!tpu.dma_semaphore, #tpu.memory_space<semaphore_mem>>) src(%dma_wait3A_125 : memref<2048xi32, #tpu.memory_space<hbm>>) dst(%dma_wait3A_124 : memref<2048xi32, #tpu.memory_space<vmem>>)
      %gt3A_126 = arith.constant 0 : i32
      %gt3A_127 = arith.cmpi sgt, %scan3A_70, %gt3A_126 : i32
      %convert_element_type3A_128 = arith.extui %gt3A_127 : i1 to i32
      %cond3A_129 = arith.constant 0 : i32
      %cond3A_130 = arith.cmpi ne, %convert_element_type3A_128, %cond3A_129 : i32
      scf.if %cond3A_130 {
        %sub3A = arith.constant 4096 : i32
        %sub3A_235 = arith.subi %add3A_113, %sub3A : i32
        %dma_wait3A_236 = arith.constant 1 : i32
        %dma_wait3A_237 = arith.constant 1 : i32
        %dma_wait3A_238 = arith.constant 0 : i32
        %dma_wait3A_239 = arith.constant 0 : i32
        %dma_wait3A_240 = tpu.memref_slice %arg6[%dma_wait3A_236, %dma_wait3A_238, %dma_wait3A_239] : memref<2x2048x16xf32, #tpu.memory_space<vmem>> -> memref<1x2048x16xf32, #tpu.memory_space<vmem>>
        %dma_wait3A_241 = tpu.memref_squeeze %dma_wait3A_240 : memref<1x2048x16xf32, #tpu.memory_space<vmem>> -> memref<2048x16xf32, #tpu.memory_space<vmem>>
        %dma_wait3A_242 = arith.constant 0 : i32
        %dma_wait3A_243 = tpu.memref_slice %arg4[%sub3A_235, %dma_wait3A_242] : memref<3276800x16xf32, #tpu.memory_space<hbm>> -> memref<2048x16xf32, #tpu.memory_space<hbm>>
        %dma_wait3A_244 = tpu.memref_slice %arg9[%dma_wait3A_237] : memref<2x!tpu.dma_semaphore, #tpu.memory_space<semaphore_mem>> -> memref<1x!tpu.dma_semaphore, #tpu.memory_space<semaphore_mem>>
        %dma_wait3A_245 = tpu.memref_squeeze %dma_wait3A_244 : memref<1x!tpu.dma_semaphore, #tpu.memory_space<semaphore_mem>> -> memref<!tpu.dma_semaphore, #tpu.memory_space<semaphore_mem>>
        %dma_wait3A_246 = arith.constant 0 : i32
        %dma_wait3A_247 = tpu.memref_slice %arg4[%sub3A_235, %dma_wait3A_246] : memref<3276800x16xf32, #tpu.memory_space<hbm>> -> memref<2048x16xf32, #tpu.memory_space<hbm>>
        %dma_wait3A_248 = arith.constant 0 : i32
        %dma_wait3A_249 = arith.constant 0 : i32
        %dma_wait3A_250 = tpu.memref_slice %arg6[%dma_wait3A_236, %dma_wait3A_248, %dma_wait3A_249] : memref<2x2048x16xf32, #tpu.memory_space<vmem>> -> memref<1x2048x16xf32, #tpu.memory_space<vmem>>
        %dma_wait3A_251 = tpu.memref_squeeze %dma_wait3A_250 : memref<1x2048x16xf32, #tpu.memory_space<vmem>> -> memref<2048x16xf32, #tpu.memory_space<vmem>>
        tpu.wait_dma2 semaphore(%dma_wait3A_245 : memref<!tpu.dma_semaphore, #tpu.memory_space<semaphore_mem>>) src(%dma_wait3A_251 : memref<2048x16xf32, #tpu.memory_space<vmem>>) dst(%dma_wait3A_247 : memref<2048x16xf32, #tpu.memory_space<hbm>>)
      } else {
      }
      %dma_start3A_131 = arith.constant 1 : i32
      %dma_start3A_132 = arith.constant 1 : i32
      %dma_start3A_133 = arith.constant 1 : i32
      %dma_start3A_134 = arith.constant 0 : i32
      %dma_start3A_135 = arith.constant 0 : i32
      %dma_start3A_136 = tpu.memref_slice %arg6[%dma_start3A_132, %dma_start3A_134, %dma_start3A_135] : memref<2x2048x16xf32, #tpu.memory_space<vmem>> -> memref<1x2048x16xf32, #tpu.memory_space<vmem>>
      %dma_start3A_137 = tpu.memref_squeeze %dma_start3A_136 : memref<1x2048x16xf32, #tpu.memory_space<vmem>> -> memref<2048x16xf32, #tpu.memory_space<vmem>>
      %dma_start3A_138 = arith.constant 0 : i32
      %dma_start3A_139 = tpu.memref_slice %arg5[%dma_start3A_131, %dma_start3A_138] : memref<2x2048xi32, #tpu.memory_space<vmem>> -> memref<1x2048xi32, #tpu.memory_space<vmem>>
      %dma_start3A_140 = tpu.memref_squeeze %dma_start3A_139 : memref<1x2048xi32, #tpu.memory_space<vmem>> -> memref<2048xi32, #tpu.memory_space<vmem>>
      %dma_start3A_141 = arith.constant 0 : i32
      %dma_start3A_142 = arith.constant 0 : i32
      %dma_start3A_143 = tpu.memref_slice %arg3[%dma_start3A_141, %dma_start3A_142] : memref<1000000x16xf32, #tpu.memory_space<hbm>> -> memref<1000000x16xf32, #tpu.memory_space<hbm>>
      %dma_start3A_144 = tpu.memref_slice %arg8[%dma_start3A_133] : memref<2x!tpu.dma_semaphore, #tpu.memory_space<semaphore_mem>> -> memref<1x!tpu.dma_semaphore, #tpu.memory_space<semaphore_mem>>
      %dma_start3A_145 = tpu.memref_squeeze %dma_start3A_144 : memref<1x!tpu.dma_semaphore, #tpu.memory_space<semaphore_mem>> -> memref<!tpu.dma_semaphore, #tpu.memory_space<semaphore_mem>>
      tpu.enqueue_indirect_dma source(%dma_start3A_143 : memref<1000000x16xf32, #tpu.memory_space<hbm>>) target(%dma_start3A_137 : memref<2048x16xf32, #tpu.memory_space<vmem>>) offsets(%dma_start3A_140 : memref<2048xi32, #tpu.memory_space<vmem>>) semaphore(%dma_start3A_145 : memref<!tpu.dma_semaphore, #tpu.memory_space<semaphore_mem>>)
      %mul3A_146 = arith.constant 2 : i32
      %mul3A_147 = arith.muli %scan3A_70, %mul3A_146 : i32
      %add3A_148 = arith.constant 0 : i32
      %add3A_149 = arith.addi %mul3A_147, %add3A_148 : i32
      %mul3A_150 = arith.constant 2048 : i32
      %mul3A_151 = arith.muli %add3A_149, %mul3A_150 : i32
      %add3A_152 = arith.addi %mul3A_2, %mul3A_151 : i32
      %dma_wait3A_153 = arith.constant 0 : i32
      %dma_wait3A_154 = arith.constant 0 : i32
      %dma_wait3A_155 = arith.constant 0 : i32
      %dma_wait3A_156 = arith.constant 0 : i32
      %dma_wait3A_157 = arith.constant 0 : i32
      %dma_wait3A_158 = tpu.memref_slice %arg6[%dma_wait3A_154, %dma_wait3A_156, %dma_wait3A_157] : memref<2x2048x16xf32, #tpu.memory_space<vmem>> -> memref<1x2048x16xf32, #tpu.memory_space<vmem>>
      %dma_wait3A_159 = tpu.memref_squeeze %dma_wait3A_158 : memref<1x2048x16xf32, #tpu.memory_space<vmem>> -> memref<2048x16xf32, #tpu.memory_space<vmem>>
      %dma_wait3A_160 = arith.constant 0 : i32
      %dma_wait3A_161 = tpu.memref_slice %arg5[%dma_wait3A_153, %dma_wait3A_160] : memref<2x2048xi32, #tpu.memory_space<vmem>> -> memref<1x2048xi32, #tpu.memory_space<vmem>>
      %dma_wait3A_162 = tpu.memref_squeeze %dma_wait3A_161 : memref<1x2048xi32, #tpu.memory_space<vmem>> -> memref<2048xi32, #tpu.memory_space<vmem>>
      %dma_wait3A_163 = arith.constant 0 : i32
      %dma_wait3A_164 = arith.constant 0 : i32
      %dma_wait3A_165 = tpu.memref_slice %arg3[%dma_wait3A_163, %dma_wait3A_164] : memref<1000000x16xf32, #tpu.memory_space<hbm>> -> memref<1000000x16xf32, #tpu.memory_space<hbm>>
      %dma_wait3A_166 = tpu.memref_slice %arg8[%dma_wait3A_155] : memref<2x!tpu.dma_semaphore, #tpu.memory_space<semaphore_mem>> -> memref<1x!tpu.dma_semaphore, #tpu.memory_space<semaphore_mem>>
      %dma_wait3A_167 = tpu.memref_squeeze %dma_wait3A_166 : memref<1x!tpu.dma_semaphore, #tpu.memory_space<semaphore_mem>> -> memref<!tpu.dma_semaphore, #tpu.memory_space<semaphore_mem>>
      tpu.wait_indirect_dma semaphore(%dma_wait3A_167 : memref<!tpu.dma_semaphore, #tpu.memory_space<semaphore_mem>>) src(%dma_wait3A_165 : memref<1000000x16xf32, #tpu.memory_space<hbm>>) dst(%dma_wait3A_159 : memref<2048x16xf32, #tpu.memory_space<vmem>>)
      %add3A_168 = arith.constant 2 : i32
      %add3A_169 = arith.addi %add3A_149, %add3A_168 : i32
      %lt3A = arith.constant 50 : i32
      %lt3A_170 = arith.cmpi slt, %add3A_169, %lt3A : i32
      %convert_element_type3A_171 = arith.extui %lt3A_170 : i1 to i32
      %cond3A_172 = arith.constant 0 : i32
      %cond3A_173 = arith.cmpi ne, %convert_element_type3A_171, %cond3A_172 : i32
      scf.if %cond3A_173 {
        %add3A_235 = arith.constant 4096 : i32
        %add3A_236 = arith.addi %add3A_152, %add3A_235 : i32
        %dma_start3A_237 = arith.constant 0 : i32
        %dma_start3A_238 = arith.constant 0 : i32
        %dma_start3A_239 = arith.constant 0 : i32
        %dma_start3A_240 = tpu.memref_slice %arg5[%dma_start3A_237, %dma_start3A_239] : memref<2x2048xi32, #tpu.memory_space<vmem>> -> memref<1x2048xi32, #tpu.memory_space<vmem>>
        %dma_start3A_241 = tpu.memref_squeeze %dma_start3A_240 : memref<1x2048xi32, #tpu.memory_space<vmem>> -> memref<2048xi32, #tpu.memory_space<vmem>>
        %dma_start3A_242 = tpu.memref_slice %arg2[%add3A_236] : memref<3276800xi32, #tpu.memory_space<hbm>> -> memref<2048xi32, #tpu.memory_space<hbm>>
        %dma_start3A_243 = tpu.memref_slice %arg7[%dma_start3A_238] : memref<2x!tpu.dma_semaphore, #tpu.memory_space<semaphore_mem>> -> memref<1x!tpu.dma_semaphore, #tpu.memory_space<semaphore_mem>>
        %dma_start3A_244 = tpu.memref_squeeze %dma_start3A_243 : memref<1x!tpu.dma_semaphore, #tpu.memory_space<semaphore_mem>> -> memref<!tpu.dma_semaphore, #tpu.memory_space<semaphore_mem>>
        %dma_start3A_245 = arith.constant 0 : i32
        %dma_start3A_246 = tpu.memref_slice %arg5[%dma_start3A_237, %dma_start3A_245] : memref<2x2048xi32, #tpu.memory_space<vmem>> -> memref<1x2048xi32, #tpu.memory_space<vmem>>
        %dma_start3A_247 = tpu.memref_squeeze %dma_start3A_246 : memref<1x2048xi32, #tpu.memory_space<vmem>> -> memref<2048xi32, #tpu.memory_space<vmem>>
        %dma_start3A_248 = tpu.memref_slice %arg2[%add3A_236] : memref<3276800xi32, #tpu.memory_space<hbm>> -> memref<2048xi32, #tpu.memory_space<hbm>>
        tpu.enqueue_dma source(%dma_start3A_248 : memref<2048xi32, #tpu.memory_space<hbm>>) target(%dma_start3A_247 : memref<2048xi32, #tpu.memory_space<vmem>>) target_semaphore(%dma_start3A_244 : memref<!tpu.dma_semaphore, #tpu.memory_space<semaphore_mem>>)
      } else {
      }
      %dma_start3A_174 = arith.constant 0 : i32
      %dma_start3A_175 = arith.constant 0 : i32
      %dma_start3A_176 = arith.constant 0 : i32
      %dma_start3A_177 = arith.constant 0 : i32
      %dma_start3A_178 = tpu.memref_slice %arg6[%dma_start3A_174, %dma_start3A_176, %dma_start3A_177] : memref<2x2048x16xf32, #tpu.memory_space<vmem>> -> memref<1x2048x16xf32, #tpu.memory_space<vmem>>
      %dma_start3A_179 = tpu.memref_squeeze %dma_start3A_178 : memref<1x2048x16xf32, #tpu.memory_space<vmem>> -> memref<2048x16xf32, #tpu.memory_space<vmem>>
      %dma_start3A_180 = arith.constant 0 : i32
      %dma_start3A_181 = tpu.memref_slice %arg4[%add3A_152, %dma_start3A_180] : memref<3276800x16xf32, #tpu.memory_space<hbm>> -> memref<2048x16xf32, #tpu.memory_space<hbm>>
      %dma_start3A_182 = tpu.memref_slice %arg9[%dma_start3A_175] : memref<2x!tpu.dma_semaphore, #tpu.memory_space<semaphore_mem>> -> memref<1x!tpu.dma_semaphore, #tpu.memory_space<semaphore_mem>>
      %dma_start3A_183 = tpu.memref_squeeze %dma_start3A_182 : memref<1x!tpu.dma_semaphore, #tpu.memory_space<semaphore_mem>> -> memref<!tpu.dma_semaphore, #tpu.memory_space<semaphore_mem>>
      %dma_start3A_184 = arith.constant 0 : i32
      %dma_start3A_185 = tpu.memref_slice %arg4[%add3A_152, %dma_start3A_184] : memref<3276800x16xf32, #tpu.memory_space<hbm>> -> memref<2048x16xf32, #tpu.memory_space<hbm>>
      %dma_start3A_186 = arith.constant 0 : i32
      %dma_start3A_187 = arith.constant 0 : i32
      %dma_start3A_188 = tpu.memref_slice %arg6[%dma_start3A_174, %dma_start3A_186, %dma_start3A_187] : memref<2x2048x16xf32, #tpu.memory_space<vmem>> -> memref<1x2048x16xf32, #tpu.memory_space<vmem>>
      %dma_start3A_189 = tpu.memref_squeeze %dma_start3A_188 : memref<1x2048x16xf32, #tpu.memory_space<vmem>> -> memref<2048x16xf32, #tpu.memory_space<vmem>>
      tpu.enqueue_dma source(%dma_start3A_189 : memref<2048x16xf32, #tpu.memory_space<vmem>>) target(%dma_start3A_185 : memref<2048x16xf32, #tpu.memory_space<hbm>>) target_semaphore(%dma_start3A_183 : memref<!tpu.dma_semaphore, #tpu.memory_space<semaphore_mem>>)
      %mul3A_190 = arith.constant 2 : i32
      %mul3A_191 = arith.muli %scan3A_70, %mul3A_190 : i32
      %add3A_192 = arith.constant 1 : i32
      %add3A_193 = arith.addi %mul3A_191, %add3A_192 : i32
      %mul3A_194 = arith.constant 2048 : i32
      %mul3A_195 = arith.muli %add3A_193, %mul3A_194 : i32
      %add3A_196 = arith.addi %mul3A_2, %mul3A_195 : i32
      %dma_wait3A_197 = arith.constant 1 : i32
      %dma_wait3A_198 = arith.constant 1 : i32
      %dma_wait3A_199 = arith.constant 1 : i32
      %dma_wait3A_200 = arith.constant 0 : i32
      %dma_wait3A_201 = arith.constant 0 : i32
      %dma_wait3A_202 = tpu.memref_slice %arg6[%dma_wait3A_198, %dma_wait3A_200, %dma_wait3A_201] : memref<2x2048x16xf32, #tpu.memory_space<vmem>> -> memref<1x2048x16xf32, #tpu.memory_space<vmem>>
      %dma_wait3A_203 = tpu.memref_squeeze %dma_wait3A_202 : memref<1x2048x16xf32, #tpu.memory_space<vmem>> -> memref<2048x16xf32, #tpu.memory_space<vmem>>
      %dma_wait3A_204 = arith.constant 0 : i32
      %dma_wait3A_205 = tpu.memref_slice %arg5[%dma_wait3A_197, %dma_wait3A_204] : memref<2x2048xi32, #tpu.memory_space<vmem>> -> memref<1x2048xi32, #tpu.memory_space<vmem>>
      %dma_wait3A_206 = tpu.memref_squeeze %dma_wait3A_205 : memref<1x2048xi32, #tpu.memory_space<vmem>> -> memref<2048xi32, #tpu.memory_space<vmem>>
      %dma_wait3A_207 = arith.constant 0 : i32
      %dma_wait3A_208 = arith.constant 0 : i32
      %dma_wait3A_209 = tpu.memref_slice %arg3[%dma_wait3A_207, %dma_wait3A_208] : memref<1000000x16xf32, #tpu.memory_space<hbm>> -> memref<1000000x16xf32, #tpu.memory_space<hbm>>
      %dma_wait3A_210 = tpu.memref_slice %arg8[%dma_wait3A_199] : memref<2x!tpu.dma_semaphore, #tpu.memory_space<semaphore_mem>> -> memref<1x!tpu.dma_semaphore, #tpu.memory_space<semaphore_mem>>
      %dma_wait3A_211 = tpu.memref_squeeze %dma_wait3A_210 : memref<1x!tpu.dma_semaphore, #tpu.memory_space<semaphore_mem>> -> memref<!tpu.dma_semaphore, #tpu.memory_space<semaphore_mem>>
      tpu.wait_indirect_dma semaphore(%dma_wait3A_211 : memref<!tpu.dma_semaphore, #tpu.memory_space<semaphore_mem>>) src(%dma_wait3A_209 : memref<1000000x16xf32, #tpu.memory_space<hbm>>) dst(%dma_wait3A_203 : memref<2048x16xf32, #tpu.memory_space<vmem>>)
      %add3A_212 = arith.constant 2 : i32
      %add3A_213 = arith.addi %add3A_193, %add3A_212 : i32
      %lt3A_214 = arith.constant 50 : i32
      %lt3A_215 = arith.cmpi slt, %add3A_213, %lt3A_214 : i32
      %convert_element_type3A_216 = arith.extui %lt3A_215 : i1 to i32
      %cond3A_217 = arith.constant 0 : i32
      %cond3A_218 = arith.cmpi ne, %convert_element_type3A_216, %cond3A_217 : i32
      scf.if %cond3A_218 {
        %add3A_235 = arith.constant 4096 : i32
        %add3A_236 = arith.addi %add3A_196, %add3A_235 : i32
        %dma_start3A_237 = arith.constant 1 : i32
        %dma_start3A_238 = arith.constant 1 : i32
        %dma_start3A_239 = arith.constant 0 : i32
        %dma_start3A_240 = tpu.memref_slice %arg5[%dma_start3A_237, %dma_start3A_239] : memref<2x2048xi32, #tpu.memory_space<vmem>> -> memref<1x2048xi32, #tpu.memory_space<vmem>>
        %dma_start3A_241 = tpu.memref_squeeze %dma_start3A_240 : memref<1x2048xi32, #tpu.memory_space<vmem>> -> memref<2048xi32, #tpu.memory_space<vmem>>
        %dma_start3A_242 = tpu.memref_slice %arg2[%add3A_236] : memref<3276800xi32, #tpu.memory_space<hbm>> -> memref<2048xi32, #tpu.memory_space<hbm>>
        %dma_start3A_243 = tpu.memref_slice %arg7[%dma_start3A_238] : memref<2x!tpu.dma_semaphore, #tpu.memory_space<semaphore_mem>> -> memref<1x!tpu.dma_semaphore, #tpu.memory_space<semaphore_mem>>
        %dma_start3A_244 = tpu.memref_squeeze %dma_start3A_243 : memref<1x!tpu.dma_semaphore, #tpu.memory_space<semaphore_mem>> -> memref<!tpu.dma_semaphore, #tpu.memory_space<semaphore_mem>>
        %dma_start3A_245 = arith.constant 0 : i32
        %dma_start3A_246 = tpu.memref_slice %arg5[%dma_start3A_237, %dma_start3A_245] : memref<2x2048xi32, #tpu.memory_space<vmem>> -> memref<1x2048xi32, #tpu.memory_space<vmem>>
        %dma_start3A_247 = tpu.memref_squeeze %dma_start3A_246 : memref<1x2048xi32, #tpu.memory_space<vmem>> -> memref<2048xi32, #tpu.memory_space<vmem>>
        %dma_start3A_248 = tpu.memref_slice %arg2[%add3A_236] : memref<3276800xi32, #tpu.memory_space<hbm>> -> memref<2048xi32, #tpu.memory_space<hbm>>
        tpu.enqueue_dma source(%dma_start3A_248 : memref<2048xi32, #tpu.memory_space<hbm>>) target(%dma_start3A_247 : memref<2048xi32, #tpu.memory_space<vmem>>) target_semaphore(%dma_start3A_244 : memref<!tpu.dma_semaphore, #tpu.memory_space<semaphore_mem>>)
      } else {
      }
      %dma_start3A_219 = arith.constant 1 : i32
      %dma_start3A_220 = arith.constant 1 : i32
      %dma_start3A_221 = arith.constant 0 : i32
      %dma_start3A_222 = arith.constant 0 : i32
      %dma_start3A_223 = tpu.memref_slice %arg6[%dma_start3A_219, %dma_start3A_221, %dma_start3A_222] : memref<2x2048x16xf32, #tpu.memory_space<vmem>> -> memref<1x2048x16xf32, #tpu.memory_space<vmem>>
      %dma_start3A_224 = tpu.memref_squeeze %dma_start3A_223 : memref<1x2048x16xf32, #tpu.memory_space<vmem>> -> memref<2048x16xf32, #tpu.memory_space<vmem>>
      %dma_start3A_225 = arith.constant 0 : i32
      %dma_start3A_226 = tpu.memref_slice %arg4[%add3A_196, %dma_start3A_225] : memref<3276800x16xf32, #tpu.memory_space<hbm>> -> memref<2048x16xf32, #tpu.memory_space<hbm>>
      %dma_start3A_227 = tpu.memref_slice %arg9[%dma_start3A_220] : memref<2x!tpu.dma_semaphore, #tpu.memory_space<semaphore_mem>> -> memref<1x!tpu.dma_semaphore, #tpu.memory_space<semaphore_mem>>
      %dma_start3A_228 = tpu.memref_squeeze %dma_start3A_227 : memref<1x!tpu.dma_semaphore, #tpu.memory_space<semaphore_mem>> -> memref<!tpu.dma_semaphore, #tpu.memory_space<semaphore_mem>>
      %dma_start3A_229 = arith.constant 0 : i32
      %dma_start3A_230 = tpu.memref_slice %arg4[%add3A_196, %dma_start3A_229] : memref<3276800x16xf32, #tpu.memory_space<hbm>> -> memref<2048x16xf32, #tpu.memory_space<hbm>>
      %dma_start3A_231 = arith.constant 0 : i32
      %dma_start3A_232 = arith.constant 0 : i32
      %dma_start3A_233 = tpu.memref_slice %arg6[%dma_start3A_219, %dma_start3A_231, %dma_start3A_232] : memref<2x2048x16xf32, #tpu.memory_space<vmem>> -> memref<1x2048x16xf32, #tpu.memory_space<vmem>>
      %dma_start3A_234 = tpu.memref_squeeze %dma_start3A_233 : memref<1x2048x16xf32, #tpu.memory_space<vmem>> -> memref<2048x16xf32, #tpu.memory_space<vmem>>
      tpu.enqueue_dma source(%dma_start3A_234 : memref<2048x16xf32, #tpu.memory_space<vmem>>) target(%dma_start3A_230 : memref<2048x16xf32, #tpu.memory_space<hbm>>) target_semaphore(%dma_start3A_228 : memref<!tpu.dma_semaphore, #tpu.memory_space<semaphore_mem>>)
    }
    %scan3A_34 = arith.constant 25 : i32
    %add3A_35 = arith.constant 98304 : i32
    %add3A_36 = arith.addi %mul3A_2, %add3A_35 : i32
    %dma_wait3A = arith.constant 0 : i32
    %dma_wait3A_37 = arith.constant 0 : i32
    %dma_wait3A_38 = arith.constant 0 : i32
    %dma_wait3A_39 = arith.constant 0 : i32
    %dma_wait3A_40 = tpu.memref_slice %arg6[%dma_wait3A, %dma_wait3A_38, %dma_wait3A_39] : memref<2x2048x16xf32, #tpu.memory_space<vmem>> -> memref<1x2048x16xf32, #tpu.memory_space<vmem>>
    %dma_wait3A_41 = tpu.memref_squeeze %dma_wait3A_40 : memref<1x2048x16xf32, #tpu.memory_space<vmem>> -> memref<2048x16xf32, #tpu.memory_space<vmem>>
    %dma_wait3A_42 = arith.constant 0 : i32
    %dma_wait3A_43 = tpu.memref_slice %arg4[%add3A_36, %dma_wait3A_42] : memref<3276800x16xf32, #tpu.memory_space<hbm>> -> memref<2048x16xf32, #tpu.memory_space<hbm>>
    %dma_wait3A_44 = tpu.memref_slice %arg9[%dma_wait3A_37] : memref<2x!tpu.dma_semaphore, #tpu.memory_space<semaphore_mem>> -> memref<1x!tpu.dma_semaphore, #tpu.memory_space<semaphore_mem>>
    %dma_wait3A_45 = tpu.memref_squeeze %dma_wait3A_44 : memref<1x!tpu.dma_semaphore, #tpu.memory_space<semaphore_mem>> -> memref<!tpu.dma_semaphore, #tpu.memory_space<semaphore_mem>>
    %dma_wait3A_46 = arith.constant 0 : i32
    %dma_wait3A_47 = tpu.memref_slice %arg4[%add3A_36, %dma_wait3A_46] : memref<3276800x16xf32, #tpu.memory_space<hbm>> -> memref<2048x16xf32, #tpu.memory_space<hbm>>
    %dma_wait3A_48 = arith.constant 0 : i32
    %dma_wait3A_49 = arith.constant 0 : i32
    %dma_wait3A_50 = tpu.memref_slice %arg6[%dma_wait3A, %dma_wait3A_48, %dma_wait3A_49] : memref<2x2048x16xf32, #tpu.memory_space<vmem>> -> memref<1x2048x16xf32, #tpu.memory_space<vmem>>
    %dma_wait3A_51 = tpu.memref_squeeze %dma_wait3A_50 : memref<1x2048x16xf32, #tpu.memory_space<vmem>> -> memref<2048x16xf32, #tpu.memory_space<vmem>>
    tpu.wait_dma2 semaphore(%dma_wait3A_45 : memref<!tpu.dma_semaphore, #tpu.memory_space<semaphore_mem>>) src(%dma_wait3A_51 : memref<2048x16xf32, #tpu.memory_space<vmem>>) dst(%dma_wait3A_47 : memref<2048x16xf32, #tpu.memory_space<hbm>>)
    %add3A_52 = arith.constant 100352 : i32
    %add3A_53 = arith.addi %mul3A_2, %add3A_52 : i32
    %dma_wait3A_54 = arith.constant 1 : i32
    %dma_wait3A_55 = arith.constant 1 : i32
    %dma_wait3A_56 = arith.constant 0 : i32
    %dma_wait3A_57 = arith.constant 0 : i32
    %dma_wait3A_58 = tpu.memref_slice %arg6[%dma_wait3A_54, %dma_wait3A_56, %dma_wait3A_57] : memref<2x2048x16xf32, #tpu.memory_space<vmem>> -> memref<1x2048x16xf32, #tpu.memory_space<vmem>>
    %dma_wait3A_59 = tpu.memref_squeeze %dma_wait3A_58 : memref<1x2048x16xf32, #tpu.memory_space<vmem>> -> memref<2048x16xf32, #tpu.memory_space<vmem>>
    %dma_wait3A_60 = arith.constant 0 : i32
    %dma_wait3A_61 = tpu.memref_slice %arg4[%add3A_53, %dma_wait3A_60] : memref<3276800x16xf32, #tpu.memory_space<hbm>> -> memref<2048x16xf32, #tpu.memory_space<hbm>>
    %dma_wait3A_62 = tpu.memref_slice %arg9[%dma_wait3A_55] : memref<2x!tpu.dma_semaphore, #tpu.memory_space<semaphore_mem>> -> memref<1x!tpu.dma_semaphore, #tpu.memory_space<semaphore_mem>>
    %dma_wait3A_63 = tpu.memref_squeeze %dma_wait3A_62 : memref<1x!tpu.dma_semaphore, #tpu.memory_space<semaphore_mem>> -> memref<!tpu.dma_semaphore, #tpu.memory_space<semaphore_mem>>
    %dma_wait3A_64 = arith.constant 0 : i32
    %dma_wait3A_65 = tpu.memref_slice %arg4[%add3A_53, %dma_wait3A_64] : memref<3276800x16xf32, #tpu.memory_space<hbm>> -> memref<2048x16xf32, #tpu.memory_space<hbm>>
    %dma_wait3A_66 = arith.constant 0 : i32
    %dma_wait3A_67 = arith.constant 0 : i32
    %dma_wait3A_68 = tpu.memref_slice %arg6[%dma_wait3A_54, %dma_wait3A_66, %dma_wait3A_67] : memref<2x2048x16xf32, #tpu.memory_space<vmem>> -> memref<1x2048x16xf32, #tpu.memory_space<vmem>>
    %dma_wait3A_69 = tpu.memref_squeeze %dma_wait3A_68 : memref<1x2048x16xf32, #tpu.memory_space<vmem>> -> memref<2048x16xf32, #tpu.memory_space<vmem>>
    tpu.wait_dma2 semaphore(%dma_wait3A_63 : memref<!tpu.dma_semaphore, #tpu.memory_space<semaphore_mem>>) src(%dma_wait3A_69 : memref<2048x16xf32, #tpu.memory_space<vmem>>) dst(%dma_wait3A_65 : memref<2048x16xf32, #tpu.memory_space<hbm>>)
    return
  }
}

</mosaic_0001>

<sc_bundles>
// kernel: kernel.3.cloned.1.call-start
scs
__scs_entry_jumppad:
0x0: {  	(pc) =	sbr.rel $0x88, $3  }
0x1: {  	(tag) =	ssettag $0x0;
	lr =	simm.s32 $0x1  }
0x2: {  	[smem:$0x3F9F] =	sst lr;
	_ =	strace $0xD0000000  }
0x3: {  	_ = 	snop  }
0x4: {  	_ = 	snop  }
0x5: {  	_ = 	snop  }
0x6: {  	_ = 	snop  }
0x7: {  	_ = 	snop  }
__scs_overlays_trampoline_lowered:
0x8: {  	[smem:$0x3FAE] =	sst s0  }
0x9: {  	[smem:$0x3FAF] =	sst s1  }
0xa: {  	[smem:$0x3FB0] =	sst s2  }
0xb: {  	[smem:$0x3FB1] =	sst s3  }
0xc: {  	[smem:$0x3FB2] =	sst s4  }
0xd: {  	[smem:$0x3FB3] =	sst s5  }
0xe: {  	[smem:$0x3FB4] =	sst s6  }
0xf: {  	[smem:$0x3FB5] =	sst s7  }
0x10: {  	[smem:$0x3FB6] =	sst s8  }
0x11: {  	[smem:$0x3FB7] =	sst s9;
	s0 =	simm.s32 @!p0 $0x0  }
0x12: {  	s1 =	sld [smem:$0x3F9D];
	s0 =	simm.s32 @p0 $0x1  }
0x13: {  	[smem:$0x3FB8] =	sst s0;
	s0 =	simm.s32 @!p1 $0x0  }
0x14: {  	s2 =	sld [smem:$0x3F9C];
	s0 =	simm.s32 @p1 $0x1  }
0x15: {  	[smem:$0x3FB9] =	sst s0;
	s0 =	simm.s32 @!p2 $0x0  }
0x16: {  	s3 =	sld [smem:$0x3FDB];
	s0 =	simm.s32 @p2 $0x1  }
0x17: {  	s4 =	simm.s32 $0x1BF5;
	[smem:$0x3FBB] =	sst s0  }
0x18: {  	s0 =	sld [smem:$0x3F9E];
	_ =	swait.ge [sflag:s4], $0x0  }
0x19: {  	s7 =	sld [smem:$0x3F9F]  }
0x1a: {  	s8 =	sadd.s32 $0xFFFFE003, lr  }
0x1b: {  	s9 =	sadd.s32 $0xFFFFFEF7, lr;
	s5 =	simm.s32 $0xFFFFFFFF;
	p2 =	slt.u32 s8, $0xFFFFF086  }
0x1c: {  	p1 =	slt.u32 s9, $0xF7A;
	s5 =	simm.s32 @!p2 $0x0  }
0x1d: {  	s5 =	simm.s32 @p1 $0x1;
	p0 =	seq.s32 s7, s2  }
0x1e: {  	s7 =	smul.u32 @!p0 $0xF7A, s2;
	p2 =	seq.s32 @!p0 s5, $0x0  }
0x1f: {  	s9 =	smul.u32 $0xF7A, s1;
	s8 =	simm.s32 @!p0 $0x1BF5;
	p2 =	por !p2, p0  }
0x20: {  	[sflag:s8] =	ssyncset.s32 @!p0 $0xFFFFF086;
	s6 =	sadd.s32 @!p0 s3, s7;
	s7 =	simm.s32 @!p0 $0x108  }
0x21: {  	s3 =	sadd.s32 s3, s9;
	s6 =	sadd.s32 @!p0 $0x88, s6;
	s7 =	simm.s32 @p2 $0x1082  }
0x22: {  	[simem:s7], [sflag:s8] =	dma.local @!p0 [hbm:s6], $0xF7A  }
0x23: {  	s9 =	sor.u32 $0xD0000000, s2;
	s6 =	simm.s32 $0x108;
	_ =	swait.ge @!p0 [sflag:s8], $0x0  }
0x24: {  	s3 =	sadd.s32 $0x88, s3;
	s6 =	simm.s32 @!p1 $0x1082;
	[sflag:s4] =	ssyncset.s32 $0xFFFFF086  }
0x25: {  	[simem:s6], [sflag:s4] =	dma.local [hbm:s3], $0xF7A  }
0x26: {  	[smem:$0x3F9F] =	sst s1;
	(tag) =	ssettag s2;
	_ =	strace s9  }
0x27: {  	s1 =	sld [smem:$0x3FAF]  }
0x28: {  	s2 =	sld [smem:$0x3FB0]  }
0x29: {  	s4 =	sld [smem:$0x3FB2]  }
0x2a: {  	p0 =	seq.s32 s5, $0x0;
	s5 =	sld [smem:$0x3FB3]  }
0x2b: {  	s6 =	sld [smem:$0x3FB4]  }
0x2c: {  	s7 =	sld [smem:$0x3FB5]  }
0x2d: {  	s3 =	simm.s32 $0x108;
	s8 =	sld [smem:$0x3FB6]  }
0x2e: {  	s3 =	simm.s32 @!p0 $0x1082;
	s9 =	sld [smem:$0x3FB7]  }
0x2f: {  	lr =	sadd.s32 s0, s3;
	s0 =	sld [smem:$0x3FAE]  }
0x30: {  	s3 =	sld [smem:$0x3FB1]  }
0x31: {  	[smem:$0x3FBA] =	sst s10  }
0x32: {  	s10 =	sld [smem:$0x3FB8];
	_ =	sdelay $0x3  }
0x33: {  	p0 =	seq.s32 s10, $0x1;
	s10 =	sld [smem:$0x3FBA];
	_ =	sdelay $0x3  }
0x34: {  	[smem:$0x3FBA] =	sst s10  }
0x35: {  	s10 =	sld [smem:$0x3FB9];
	_ =	sdelay $0x3  }
0x36: {  	p1 =	seq.s32 s10, $0x1;
	s10 =	sld [smem:$0x3FBA];
	_ =	sdelay $0x3  }
0x37: {  	[smem:$0x3FBA] =	sst s10  }
0x38: {  	s10 =	sld [smem:$0x3FBB]  }
0x39: {  	_ = 	snop;
	(pc) =	sbr.ind lr, $3  }
0x3a: {  	_ = 	snop  }
0x3b: {  	_ = 	snop  }
0x3c: {  	p2 =	seq.s32 s10, $0x1;
	s10 =	sld [smem:$0x3FBA]  }
0x3d: {  	_ =	shalt  }
0x3e: {  	_ =	shalt  }
0x3f: {  	_ =	shalt  }
0x40: {  	_ =	shalt  }
0x41: {  	_ =	shalt  }
0x42: {  	_ =	shalt  }
0x43: {  	_ =	shalt  }
0x44: {  	_ =	shalt  }
0x45: {  	_ =	shalt  }
0x46: {  	_ =	shalt  }
0x47: {  	_ =	shalt  }
0x48: {  	_ =	shalt  }
0x49: {  	_ =	shalt  }
0x4a: {  	_ =	shalt  }
0x4b: {  	_ =	shalt  }
0x4c: {  	_ =	shalt  }
0x4d: {  	_ =	shalt  }
0x4e: {  	_ =	shalt  }
0x4f: {  	_ =	shalt  }
0x50: {  	_ =	shalt  }
0x51: {  	_ =	shalt  }
0x52: {  	_ =	shalt  }
0x53: {  	_ =	shalt  }
0x54: {  	_ =	shalt  }
0x55: {  	_ =	shalt  }
0x56: {  	_ =	shalt  }
0x57: {  	_ =	shalt  }
0x58: {  	_ =	shalt  }
0x59: {  	_ =	shalt  }
0x5a: {  	_ =	shalt  }
0x5b: {  	_ =	shalt  }
0x5c: {  	_ =	shalt  }
0x5d: {  	_ =	shalt  }
0x5e: {  	_ =	shalt  }
0x5f: {  	_ =	shalt  }
0x60: {  	_ =	shalt  }
0x61: {  	_ =	shalt  }
0x62: {  	_ =	shalt  }
0x63: {  	_ =	shalt  }
0x64: {  	_ =	shalt  }
0x65: {  	_ =	shalt  }
0x66: {  	_ =	shalt  }
0x67: {  	_ =	shalt  }
0x68: {  	_ =	shalt  }
0x69: {  	_ =	shalt  }
0x6a: {  	_ =	shalt  }
0x6b: {  	_ =	shalt  }
0x6c: {  	_ =	shalt  }
0x6d: {  	_ =	shalt  }
0x6e: {  	_ =	shalt  }
0x6f: {  	_ =	shalt  }
0x70: {  	_ =	shalt  }
0x71: {  	_ =	shalt  }
0x72: {  	_ =	shalt  }
0x73: {  	_ =	shalt  }
0x74: {  	_ =	shalt  }
0x75: {  	_ =	shalt  }
0x76: {  	_ =	shalt  }
0x77: {  	_ =	shalt  }
0x78: {  	_ =	shalt  }
0x79: {  	_ =	shalt  }
0x7a: {  	_ =	shalt  }
0x7b: {  	_ =	shalt  }
0x7c: {  	_ =	shalt  }
0x7d: {  	_ =	shalt  }
0x7e: {  	_ =	shalt  }
0x7f: {  	_ =	shalt  }
0x80: {  	_ =	shalt  }
0x81: {  	_ =	shalt  }
0x82: {  	_ =	shalt  }
0x83: {  	_ =	shalt  }
0x84: {  	_ =	shalt  }
0x85: {  	_ =	shalt  }
0x86: {  	_ =	shalt  }
0x87: {  	_ =	shalt  }
.Lfunc_end0:
.L_simem_size_0:
called_computation.1_lowered:
.L_overlay_start_0:
0x88: {  	s2 =	sld [smem:$0x3FD9]  }
0x89: {  	s3 =	sld [smem:$0x3FFE];
	_ =	sdelay $0x1  }
0x8a: {  	s1 =	srdreg.scid  }
0x8b: {  	s0 =	sand.u32 $0x1, s1  }
0x8c: {  	s17 =	sshll.u32 s0, $0xA;
	s2 =	sadd.s32 s3, s2  }
0x8d: {  	s2 =	sadd.s32 s2, s17  }
0x8e: {  	[smem:$0x3FC6] =	sst s2  }
0x8f: {  	_ = 	snop  }
0x90: {  	s2 =	sld [smem:$0x3FC9]  }
0x91: {  	s18 =	sld [smem:$0x3FD0];
	(tm) =	ssettm $0x1  }
0x92: {  	s4 =	sld [smem:$0x3FFB];
	_ =	sdelay $0x3  }
0x93: {  	_ =	strace s4  }
0x94: {  	s4 =	sld [smem:$0x3FFC];
	_ =	sdelay $0x3  }
0x95: {  	_ =	strace s4  }
0x96: {  	s4 =	sld [smem:$0x3FFD];
	_ =	sdelay $0x3  }
0x97: {  	_ =	strace s4  }
0x98: {  	_ =	strace $0x8FFFFFFF  }
0x99: {  	s19 =	sld [smem:$0x3FDB];
	_ =	sdelay $0x1  }
0x9a: {  	s5 =	simm.s32 $_scs_section_size  }
0x9b: {  	s6 =	simm.s32 $_size__tile_overlayer_lowered;
	s7 =	simm.s32 $_tile_overlayer_lowered  }
0x9c: {  	s22 =	simm.s32 $0x1BFF;
	s21 =	sshll.u32 s7, $0x1;
	s4 =	sadd.s32 s5, s19  }
0x9d: {  	s8 =	simm.s32 $0x0;
	s20 =	sshll.u32 s6, $0x1;
	s6 =	sadd.s32 s21, s4  }
0x9e: {  	[timem:s8], [sflag:s22] =	dma.local [hbm:s6], s20  }
0x9f: {  	_ =	swait.ge [sflag:s22], s20  }
0xa0: {  	s5 =	ssub.s32 $0x0, s20;
	[sflag:s22] =	ssyncset.done $0x0  }
0xa1: {  	[sflag:s22] =	ssyncadd.s32 s5;
	_ =	sdelay $0x1  }
0xa2: {  	s23 =	simm.s32 $0x1B8B  }
0xa3: {  	_ =	swait.ge [sflag:s23], $0x1  }
0xa4: {  	[sflag:s23] =	ssyncset.done $0x0  }
0xa5: {  	s25 =	simm.s32 $0x1B8E;
	s24 =	sld [smem:$0x3FFE];
	[sflag:s23] =	ssyncadd.s32 $0xFFFFFFFF  }
0xa6: {  	s26 =	simm.s32 $execute0_lowered;
	[smem:$0x3FD2] =	sst s25  }
0xa7: {  	s6 =	sshll.u32 s26, $0x1;
	_ =	strace $0x80000046;
	[dreg:$0x1] =	wrdreg $0xFFFFFFFF  }
0xa8: {  	s28 =	simm.s32 $_size_execute0_lowered;
	s4 =	sadd.s32 s4, s6;
	[dreg:$0x0] =	wrdreg $0x0  }
0xa9: {  	s6 =	sshll.u32 s28, $0x1;
	[dreg:$0x2] =	wrdreg s4  }
0xaa: {  	[dreg:$0x3] =	wrdreg s6  }
0xab: {  	[dreg:$0x4] =	wrdreg $0xC0  }
0xac: {  	_ =	task [dreg:s8], $0x5FFFF  }
0xad: {  	[dreg:$0x1] =	wrdreg $0xFFFFFFFF  }
0xae: {  	[dreg:$0x0] =	wrdreg $0x60  }
0xaf: {  	[dreg:$0x2] =	wrdreg s2  }
0xb0: {  	[dreg:$0x3] =	wrdreg s24  }
0xb1: {  	[dreg:$0x4] =	wrdreg s18  }
0xb2: {  	[dreg:$0x5] =	wrdreg $0x9  }
0xb3: {  	_ =	task.clear_ibuf [dreg:s8], $0x6FFFF;
	_ =	strace $0x90000046  }
0xb4: {  	s29 =	simm.s32 $0x9;
	_ =	strace $0x80000048  }
0xb5: {  	_ =	swait.ge [sflag:s29], $0x1  }
0xb6: {  	[sflag:s29] =	ssyncadd.s32 $0xFFFFFFFF  }
0xb7: {  	_ =	strace $0x90000048  }
0xb8: {  	_ =	sfence  }
0xb9: {  	s30 =	sld [smem:$0x0];
	_ =	sdelay $0x2  }
0xba: {  	s31 =	sshll.u32 s1, $0xD;
	s1 =	sshrl.u32 s1, $0x2  }
0xbb: {  	s3 =	sand.u32 $0x4000, s31;
	s1 =	sadd.s32 s1, s30  }
0xbc: {  	s0 =	sor.u32 s3, s0;
	s1 =	sshll.u32 s1, $0x11  }
0xbd: {  	s0 =	sor.u32 s1, s0  }
0xbe: {  	s0 =	sadd.s32 $0x8F2B, s0  }
0xbf: {  	[sflag:s0] =	ssyncadd.remote.s32 $0x1  }
0xc0: {  	_ =	sfence.sel $0xFFFF  }
0xc1: {  	[dreg:$0x0] =	wrdreg $0xFFFFFFFF;
	(pc) =	sbr.abs _section_cstart, $3  }
0xc2: {  	[dreg:$0x1] =	wrdreg $0xFFFFFFFF  }
0xc3: {  	_ =	task.clear_ibuf [dreg:s8], $0x2FFFF;
	_ =	strace $0x9FFFFFFF  }
0xc4: {  	(tm) =	ssettm $0x7FFFFFFF  }
0xc5: {  	_ =	shalt  }
tec
execute0_lowered:
.L_overlay_start_1:
0x0: {  	(tag) =	ssettag $0x1  }
0x1: {  	s16 =	rddreg [dreg:$0x0]  }
0x2: {  	s3 =	rddreg [dreg:$0x1]  }
0x3: {  	s14 =	rddreg [dreg:$0x2]  }
0x4: {  	s4 =	srdreg.scid;
	s0 =	stileid.u32;
	s2 =	simm.s32 $0x0  }
0x5: {  	s20 =	simm.s32 $0x2;
	s21 =	simm.s32 $0x9000;
	s22 =	simm.s32 $0x3  }
0x6: {  	s23 =	simm.s32 $0x4;
	s24 =	simm.s32 $0x5;
	s10 =	smul.u32 $0x32000, s0  }
0x7: {  	s25 =	simm.s32 $0x6;
	s15 =	sand.u32 $0x1, s4;
	s18 =	smul.u32 $0x64000, s0  }
0x8: {  	s26 =	simm.s32 $0x0;
	s30 =	sshll.u32 s0, $0x1;
	s11 =	smul.u32 $0x19000, s15  }
0x9: {  	s4 =	sor.u32 s15, s30;
	s6 =	ssub.s32 $0x2, s15;
	s15 =	smul.u32 $0x32000, s15  }
0xa: {  	[smem:$0x7FF] =	sst s2;
	s3 =	sadd.s32 $0xF42C00, s3;
	s5 =	smul.u32 $0x19000, s4  }
0xb: {  	_ =	strace $0x80000047;
	s8 =	smul.u32 $0x32000, s4;
	s31 =	sshrl.u32 s6, $0x1  }
0xc: {  	s18 =	sadd.s32 s18, s14;
	s6 =	ssub.s32 s6, s31;
	s17 =	sadd.s32 s11, s10  }
0xd: {  	s15 =	sadd.s32 s15, s18;
	s18 =	simm.s32 $0x1;
	s5 =	sshrl.u32 s5, $0x3  }
0xe: {  	s6 =	smax.u32 s6, $0x1;
	s8 =	sadd.s32 s14, s8;
	s13 =	sshll.u32 s17, $0x1  }
0xf: {  	s19 =	sadd.s32 $0x2800, s17;
	s17 =	sadd.s32 $0x2000, s17;
	s15 =	sadd.s32 $0x2000, s15  }
0x10: {  	s4 =	sadd.s32 s16, s5;
	s10 =	sadd.s32 $0x1000, s8;
	s11 =	sadd.s32 $0x30000, s8  }
0x11: {  	s12 =	sadd.s32 $0x31000, s8;
	s13 =	sadd.s32 s14, s13;
	s19 =	sshrl.u32 s19, $0x3  }
0x12: {  	s17 =	sshrl.u32 s17, $0x3;
	s5 =	sadd.s32 $0x100, s4;
	s7 =	sadd.s32 $0x200, s4  }
0x13: {  	s9 =	sadd.s32 $0x300, s4;
	s13 =	sadd.s32 $0x3000, s13;
	s14 =	sadd.s32 s19, s16  }
0x14: {  	s16 =	sadd.s32 s17, s16;
	s17 =	simm.s32 $0x800;
	s19 =	simm.s32 $0x1000  }
.LBB2_1:
0x15: {  	[tilespmem:s2], [sflag:$0x1] =	stream.linear.gather [hbm4b:s4+s2], $0x800, $0x38;
	[tilespmem:$0x11000] =	vst v63  }
0x16: {  	_ = 	snop  }
0x17: {  	[tilespmem:s17], [sflag:$0x2] =	stream.linear.gather [hbm4b:s5+s2], $0x800, $0x38;
	[tilespmem:$0x11000] =	vst v63  }
0x18: {  	_ =	swait.ge [sflag:s18], $0x800  }
0x19: {  	[sflag:s18] =	ssyncset.done $0x0  }
0x1a: {  	[sflag:s18] =	ssyncadd.s32 $0xFFFFF800  }
0x1b: {  	[tilespmem:s19], [sflag:$0x3] =	stream.indirect.gather [hbm4b:s3+s17], $0x10, s2, s17, $0xb8;
	[tilespmem:$0x11000] =	vst v63  }
0x1c: {  	_ =	swait.ge [sflag:s20], $0x800  }
0x1d: {  	[sflag:s20] =	ssyncset.done $0x0  }
0x1e: {  	[sflag:s20] =	ssyncadd.s32 $0xFFFFF800  }
0x1f: {  	[tilespmem:s21], [sflag:$0x4] =	stream.indirect.gather [hbm4b:s3+s17], $0x10, s17, s17, $0xb8;
	[tilespmem:$0x11000] =	vst v63  }
0x20: {  	_ =	swait.ge [sflag:s22], $0x8000  }
0x21: {  	[sflag:s22] =	ssyncset.done $0x0  }
0x22: {  	[sflag:s22] =	ssyncadd.s32 $0xFFFF8000  }
0x23: {  	[tilespmem:s2], [sflag:$0x1] =	stream.linear.gather [hbm4b:s7+s2], $0x800, $0x38;
	[tilespmem:$0x11000] =	vst v63  }
0x24: {  	_ = 	snop  }
0x25: {  	[hbm4b:s8+s2] =	stream.linear.scatter [tilespmem:s19], [sflag:$0x5], $0x8000, $0x38;
	[tilespmem:$0x11000] =	vst v63  }
0x26: {  	_ =	swait.ge [sflag:s23], $0x8000  }
0x27: {  	[sflag:s23] =	ssyncset.done $0x0  }
0x28: {  	[sflag:s23] =	ssyncadd.s32 $0xFFFF8000  }
0x29: {  	[tilespmem:s17], [sflag:$0x2] =	stream.linear.gather [hbm4b:s9+s2], $0x800, $0x38;
	[tilespmem:$0x11000] =	vst v63  }
0x2a: {  	_ = 	snop  }
0x2b: {  	[hbm4b:s10+s2] =	stream.linear.scatter [tilespmem:s21], [sflag:$0x6], $0x8000, $0x38;
	[tilespmem:$0x11000] =	vst v63  }
0x2c: {  	_ =	swait.ge [sflag:s18], $0x800  }
0x2d: {  	[sflag:s18] =	ssyncset.done $0x0  }
0x2e: {  	[sflag:s18] =	ssyncadd.s32 $0xFFFFF800  }
0x2f: {  	_ =	swait.ge [sflag:s24], $0x8000  }
0x30: {  	[sflag:s24] =	ssyncset.done $0x0  }
0x31: {  	[sflag:s24] =	ssyncadd.s32 $0xFFFF8000  }
0x32: {  	[tilespmem:s19], [sflag:$0x3] =	stream.indirect.gather [hbm4b:s3+s17], $0x10, s2, s17, $0xb8;
	[tilespmem:$0x11000] =	vst v63  }
0x33: {  	_ =	swait.ge [sflag:s20], $0x800  }
0x34: {  	[sflag:s20] =	ssyncset.done $0x0  }
0x35: {  	[sflag:s20] =	ssyncadd.s32 $0xFFFFF800  }
0x36: {  	_ =	swait.ge [sflag:s25], $0x8000  }
0x37: {  	[sflag:s25] =	ssyncset.done $0x0  }
0x38: {  	[sflag:s25] =	ssyncadd.s32 $0xFFFF8000  }
0x39: {  	[tilespmem:s21], [sflag:$0x4] =	stream.indirect.gather [hbm4b:s3+s17], $0x10, s17, s17, $0xb8;
	[tilespmem:$0x11000] =	vst v63  }
0x3a: {  	_ =	swait.ge [sflag:s22], $0x8000  }
0x3b: {  	[sflag:s22] =	ssyncset.done $0x0  }
0x3c: {  	s28 =	sadd.s32 $0x0, s16;
	[sflag:s22] =	ssyncadd.s32 $0xFFFF8000  }
0x3d: {  	[tilespmem:s2], [sflag:$0x1] =	stream.linear.gather [hbm4b:s28+s2], $0x800, $0x38;
	[tilespmem:$0x11000] =	vst v63  }
0x3e: {  	_ = 	snop  }
0x3f: {  	[hbm4b:s15+s2] =	stream.linear.scatter [tilespmem:s19], [sflag:$0x5], $0x8000, $0x38;
	[tilespmem:$0x11000] =	vst v63  }
0x40: {  	_ =	swait.ge [sflag:s23], $0x8000  }
0x41: {  	[sflag:s23] =	ssyncset.done $0x0  }
0x42: {  	s29 =	sadd.s32 $0x2000, s13;
	s28 =	sadd.s32 $0x0, s14;
	[sflag:s23] =	ssyncadd.s32 $0xFFFF8000  }
0x43: {  	[tilespmem:s17], [sflag:$0x2] =	stream.linear.gather [hbm4b:s28+s2], $0x800, $0x38;
	[tilespmem:$0x11000] =	vst v63  }
0x44: {  	s30 =	sadd.s32 $0x2000, s15;
	s31 =	smov.u32 s13;
	s28 =	simm.s32 $0x200  }
.LBB2_2:
0x45: {  	[hbm4b:s31+s2] =	stream.linear.scatter [tilespmem:s21], [sflag:$0x6], $0x8000, $0x38;
	[tilespmem:$0x11000] =	vst v63  }
0x46: {  	s0 =	smov.u32 s28;
	s31 =	smov.u32 s29  }
0x47: {  	p0 =	sne.s32 s28, $0x2C00;
	s28 =	sadd.s32 $0x200, s28;
	_ =	swait.ge [sflag:s18], $0x800  }
0x48: {  	[sflag:s18] =	ssyncset.done $0x0  }
0x49: {  	[sflag:s18] =	ssyncadd.s32 $0xFFFFF800  }
0x4a: {  	_ =	swait.ge [sflag:s24], $0x8000  }
0x4b: {  	[sflag:s24] =	ssyncset.done $0x0  }
0x4c: {  	[sflag:s24] =	ssyncadd.s32 $0xFFFF8000  }
0x4d: {  	[tilespmem:s19], [sflag:$0x3] =	stream.indirect.gather [hbm4b:s3+s17], $0x10, s2, s17, $0xb8;
	[tilespmem:$0x11000] =	vst v63  }
0x4e: {  	_ =	swait.ge [sflag:s20], $0x800  }
0x4f: {  	[sflag:s20] =	ssyncset.done $0x0  }
0x50: {  	[sflag:s20] =	ssyncadd.s32 $0xFFFFF800  }
0x51: {  	_ =	swait.ge [sflag:s25], $0x8000  }
0x52: {  	[sflag:s25] =	ssyncset.done $0x0  }
0x53: {  	[sflag:s25] =	ssyncadd.s32 $0xFFFF8000  }
0x54: {  	[tilespmem:s21], [sflag:$0x4] =	stream.indirect.gather [hbm4b:s3+s17], $0x10, s17, s17, $0xb8;
	[tilespmem:$0x11000] =	vst v63  }
0x55: {  	_ =	swait.ge [sflag:s22], $0x8000  }
0x56: {  	[sflag:s22] =	ssyncset.done $0x0  }
0x57: {  	s1 =	sadd.s32 s0, s16;
	[sflag:s22] =	ssyncadd.s32 $0xFFFF8000  }
0x58: {  	[tilespmem:s2], [sflag:$0x1] =	stream.linear.gather [hbm4b:s1+s2], $0x800, $0x38;
	[tilespmem:$0x11000] =	vst v63  }
0x59: {  	_ = 	snop  }
0x5a: {  	[hbm4b:s30+s2] =	stream.linear.scatter [tilespmem:s19], [sflag:$0x5], $0x8000, $0x38;
	[tilespmem:$0x11000] =	vst v63  }
.Ltmp0:
0x5b: {  	_ =	swait.ge [sflag:s23], $0x8000;
	(pc) =	sbr.rel @p0 .LBB2_2-.Ltmp0, $4  }
0x5c: {  	[sflag:s23] =	ssyncset.done $0x0  }
0x5d: {  	s0 =	sadd.s32 s0, s14;
	[sflag:s23] =	ssyncadd.s32 $0xFFFF8000  }
0x5e: {  	[tilespmem:s17], [sflag:$0x2] =	stream.linear.gather [hbm4b:s0+s2], $0x800, $0x38;
	[tilespmem:$0x11000] =	vst v63  }
0x5f: {  	s29 =	sadd.s32 $0x2000, s29;
	s30 =	sadd.s32 $0x2000, s30  }
0x60: {  	[hbm4b:s31+s2] =	stream.linear.scatter [tilespmem:s21], [sflag:$0x6], $0x8000, $0x38;
	[tilespmem:$0x11000] =	vst v63  }
0x61: {  	_ =	swait.ge [sflag:s18], $0x800  }
0x62: {  	[sflag:s18] =	ssyncset.done $0x0  }
0x63: {  	[sflag:s18] =	ssyncadd.s32 $0xFFFFF800  }
0x64: {  	_ =	swait.ge [sflag:s24], $0x8000  }
0x65: {  	[sflag:s24] =	ssyncset.done $0x0  }
0x66: {  	[sflag:s24] =	ssyncadd.s32 $0xFFFF8000  }
0x67: {  	[tilespmem:s19], [sflag:$0x3] =	stream.indirect.gather [hbm4b:s3+s17], $0x10, s2, s17, $0xb8;
	[tilespmem:$0x11000] =	vst v63  }
0x68: {  	_ =	swait.ge [sflag:s20], $0x800  }
0x69: {  	[sflag:s20] =	ssyncset.done $0x0  }
0x6a: {  	[sflag:s20] =	ssyncadd.s32 $0xFFFFF800  }
0x6b: {  	_ =	swait.ge [sflag:s25], $0x8000  }
0x6c: {  	[sflag:s25] =	ssyncset.done $0x0  }
0x6d: {  	[sflag:s25] =	ssyncadd.s32 $0xFFFF8000  }
0x6e: {  	[tilespmem:s21], [sflag:$0x4] =	stream.indirect.gather [hbm4b:s3+s17], $0x10, s17, s17, $0xb8;
	[tilespmem:$0x11000] =	vst v63  }
0x6f: {  	_ =	swait.ge [sflag:s22], $0x8000  }
0x70: {  	[sflag:s22] =	ssyncset.done $0x0  }
0x71: {  	[sflag:s22] =	ssyncadd.s32 $0xFFFF8000  }
0x72: {  	[hbm4b:s11+s2] =	stream.linear.scatter [tilespmem:s19], [sflag:$0x5], $0x8000, $0x38;
	[tilespmem:$0x11000] =	vst v63  }
0x73: {  	_ =	swait.ge [sflag:s23], $0x8000  }
0x74: {  	[sflag:s23] =	ssyncset.done $0x0  }
0x75: {  	s26 =	sadd.s32 $0x1, s26;
	[sflag:s23] =	ssyncadd.s32 $0xFFFF8000  }
0x76: {  	[hbm4b:s12+s2] =	stream.linear.scatter [tilespmem:s21], [sflag:$0x6], $0x8000, $0x38;
	[tilespmem:$0x11000] =	vst v63  }
0x77: {  	p0 =	sne.s32 s26, s6;
	_ =	swait.ge [sflag:s24], $0x8000  }
.Ltmp1:
0x78: {  	[sflag:s24] =	ssyncset.done $0x0;
	(pc) =	sbr.rel @p0 .LBB2_1-.Ltmp1, $4  }
0x79: {  	[sflag:s24] =	ssyncadd.s32 $0xFFFF8000  }
0x7a: {  	_ =	swait.ge [sflag:s25], $0x8000  }
0x7b: {  	[sflag:s25] =	ssyncset.done $0x0  }
0x7c: {  	[sflag:s25] =	ssyncadd.s32 $0xFFFF8000  }
0x7d: {  	_ =	sfence.sel $0x180000  }
0x7e: {  	[bflag:$0x0] =	sbarrier.arrive $0xFFFF  }
0x7f: {  	_ =	strace $0x90000047  }
0x80: {  	s0 =	stileid.u32;
	[bflag:$0x2] =	sbarrier.arrive $0xFFFF  }
0x81: {  	p0 =	sne.s32 s0, $0x0;
	s0 =	rddreg [dreg:$0x3]  }
0x82: {  	s0 =	sadd.s32 @!p0 $0x100000, s0  }
0x83: {  	[sflag:s0] =	ssyncadd.tile.s32 @!p0 $0x1;
	_ =	shalt  }
.Lfunc_end2:
_tile_overlayer_lowered:
.L_overlay_start_2:
0x84: {  	(tag) =	ssettag $0x2  }
0x85: {  	s0 =	rddreg [dreg:$0x0];
	s2 =	stileid.u32  }
0x86: {  	s1 =	rddreg [dreg:$0x1];
	p0 =	sne.s32 s2, $0x0  }
0x87: {  	s3 =	rddreg [dreg:$0x2];
	[bflag:$0x3] =	sbarrier.arrive $0xFFFF;
	s2 =	simm.s32 @!p0 $0x1C07  }
0x88: {  	[timem:s3], [sflag:s2] =	dma.local @!p0 [hbm:s0], s1  }
0x89: {  	s0 =	simm.s32 @!p0 $0x7  }
0x8a: {  	_ =	swait.ge @!p0 [sflag:s0], s1  }
0x8b: {  	s1 =	ssub.s32 @!p0 $0x0, s1;
	[sflag:s0] =	ssyncset.done @!p0 $0x0  }
0x8c: {  	[sflag:s0] =	ssyncadd.s32 @!p0 s1  }
0x8d: {  	[bflag:$0x3] =	sbarrier.arrive $0xFFFF  }
0x8e: {  	_ =	shalt  }

// kernel: sparse-core-data-format-call.cloned.1.call-start
scs
called_computation_lowered:
.L_overlay_start_0:
0x0: {  	s2 =	sld [smem:$0x3FD9]  }
0x1: {  	s3 =	sld [smem:$0x3FFE];
	_ =	sdelay $0x1  }
0x2: {  	s1 =	srdreg.scid  }
0x3: {  	s0 =	sand.u32 $0x1, s1  }
0x4: {  	s18 =	sshll.u32 s0, $0xA;
	s2 =	sadd.s32 s3, s2  }
0x5: {  	s2 =	sadd.s32 s2, s18  }
0x6: {  	[smem:$0x3FC6] =	sst s2  }
0x7: {  	_ = 	snop  }
0x8: {  	s2 =	sld [smem:$0x3FD0];
	(tm) =	ssettm $0x1  }
0x9: {  	s19 =	sld [smem:$0x3FFB];
	_ =	sdelay $0x3  }
0xa: {  	_ =	strace s19  }
0xb: {  	s3 =	sld [smem:$0x3FFC];
	_ =	sdelay $0x3  }
0xc: {  	_ =	strace s3  }
0xd: {  	s3 =	sld [smem:$0x3FFD];
	_ =	sdelay $0x3  }
0xe: {  	_ =	strace s3  }
0xf: {  	_ =	strace $0x8FFFFFFF  }
0x10: {  	s20 =	sld [smem:$0x3FDB];
	_ =	sdelay $0x1  }
0x11: {  	s4 =	simm.s32 $_scs_section_size  }
0x12: {  	s5 =	simm.s32 $_size__tile_overlayer_lowered;
	s6 =	simm.s32 $_tile_overlayer_lowered  }
0x13: {  	s23 =	simm.s32 $0x1BFF;
	s22 =	sshll.u32 s6, $0x1;
	s3 =	sadd.s32 s4, s20  }
0x14: {  	s7 =	simm.s32 $0x0;
	s21 =	sshll.u32 s5, $0x1;
	s5 =	sadd.s32 s22, s3  }
0x15: {  	[timem:s7], [sflag:s23] =	dma.local [hbm:s5], s21  }
0x16: {  	_ =	swait.ge [sflag:s23], s21  }
0x17: {  	s4 =	ssub.s32 $0x0, s21;
	[sflag:s23] =	ssyncset.done $0x0  }
0x18: {  	[sflag:s23] =	ssyncadd.s32 s4;
	_ =	sdelay $0x1  }
0x19: {  	s24 =	simm.s32 $0x1B8B  }
0x1a: {  	_ =	swait.ge [sflag:s24], $0x1  }
0x1b: {  	[sflag:s24] =	ssyncset.done $0x0  }
0x1c: {  	s26 =	simm.s32 $0x1B8E;
	s25 =	sld [smem:$0x3FFE];
	[sflag:s24] =	ssyncadd.s32 $0xFFFFFFFF  }
0x1d: {  	s27 =	simm.s32 $execute0_lowered;
	[smem:$0x3FD2] =	sst s26  }
0x1e: {  	s5 =	sshll.u32 s27, $0x1;
	_ =	strace $0x80000049;
	[dreg:$0x1] =	wrdreg $0xFFFFFFFF  }
0x1f: {  	s28 =	simm.s32 $_size_execute0_lowered;
	s3 =	sadd.s32 s3, s5;
	[dreg:$0x0] =	wrdreg $0x0  }
0x20: {  	s5 =	sshll.u32 s28, $0x1;
	[dreg:$0x2] =	wrdreg s3  }
0x21: {  	[dreg:$0x3] =	wrdreg s5  }
0x22: {  	[dreg:$0x4] =	wrdreg $0xC0  }
0x23: {  	_ =	task [dreg:s7], $0x5FFFF  }
0x24: {  	[dreg:$0x1] =	wrdreg $0xFFFFFFFF  }
0x25: {  	[dreg:$0x0] =	wrdreg $0x60  }
0x26: {  	[dreg:$0x2] =	wrdreg s25  }
0x27: {  	[dreg:$0x3] =	wrdreg s2  }
0x28: {  	[dreg:$0x4] =	wrdreg $0x9  }
0x29: {  	_ =	task.clear_ibuf [dreg:s7], $0x5FFFF;
	_ =	strace $0x90000049  }
0x2a: {  	s29 =	simm.s32 $0x9;
	_ =	strace $0x8000004B  }
0x2b: {  	_ =	swait.ge [sflag:s29], $0x1  }
0x2c: {  	[sflag:s29] =	ssyncadd.s32 $0xFFFFFFFF  }
0x2d: {  	_ =	strace $0x9000004B  }
0x2e: {  	_ =	sfence  }
0x2f: {  	s30 =	sld [smem:$0x0];
	_ =	sdelay $0x2  }
0x30: {  	s31 =	sshll.u32 s1, $0xD;
	s1 =	sshrl.u32 s1, $0x2  }
0x31: {  	s3 =	sand.u32 $0x4000, s31;
	s1 =	sadd.s32 s1, s30  }
0x32: {  	s0 =	sor.u32 s3, s0;
	s1 =	sshll.u32 s1, $0x11  }
0x33: {  	s0 =	sor.u32 s1, s0  }
0x34: {  	s0 =	sadd.s32 $0x8F2B, s0  }
0x35: {  	[sflag:s0] =	ssyncadd.remote.s32 $0x1  }
0x36: {  	_ =	sfence.sel $0xFFFF  }
0x37: {  	[dreg:$0x0] =	wrdreg $0xFFFFFFFF;
	(pc) =	sbr.abs _section_cstart, $3  }
0x38: {  	[dreg:$0x1] =	wrdreg $0xFFFFFFFF  }
0x39: {  	_ =	task.clear_ibuf [dreg:s7], $0x2FFFF;
	_ =	strace $0x9FFFFFFF  }
0x3a: {  	(tm) =	ssettm $0x7FFFFFFF  }
0x3b: {  	_ =	shalt  }
tec
execute0_lowered:
.L_overlay_start_1:
0x0: {  	(tag) =	ssettag $0x1  }
0x1: {  	s0 =	srdreg.scid  }
0x2: {  	s1 =	sshll.u32 s0, $0x4  }
0x3: {  	s4 =	rddreg [dreg:$0x0];
	s0 =	stileid.u32;
	s1 =	sand.u32 $0x10, s1  }
0x4: {  	s2 =	rddreg [dreg:$0x1];
	s7 =	simm.s32 $0x1;
	s1 =	sor.u32 s0, s1  }
0x5: {  	s8 =	simm.s32 $0x2;
	s11 =	simm.s32 $0x0;
	s3 =	sshll.u32 s1, $0x7  }
0x6: {  	s10 =	simm.s32 $0x0;
	s4 =	sadd.s32 $0x800, s4;
	s6 =	ssub.s32 $0x320000, s3  }
.Ltmp0:
0x7: {  	s1 =	rddreg [dreg:$0x2];
	s5 =	sand.u32 $0xF80, s6;
	(pc) =	sbr.rel .LBB1_1-.Ltmp0, $4  }
0x8: {  	_ =	strace $0x8000004A;
	s9 =	smov.u32 s3;
	p0 =	sne.s32 s5, $0x0  }
0x9: {  	s6 =	sshrl.u32 s6, $0xC;
	s5 =	simm.s32 $0x1;
	s7 =	simm.s32 @!p0 $0x0  }
0xa: {  	[sflag:s5] =	ssyncpa.u1 $0x0;
	p0 =	por $0x0, $0x0;
	s6 =	sadd.s32 s7, s6  }
0xb: {  	[sflag:s8] =	ssyncpa.u1 $0x0;
	s8 =	simm.s32 $0x1900000;
	s7 =	sadd.s32 $0x1, s6  }
.LBB1_4:
0xc: {  	s14 =	sshll.u32 s11, $0x3  }
0xd: {  	s30 =	sand.u32 $0x7F, s11;
	s15 =	sand.u32 $0xFFFFFC00, s14  }
0xe: {  	s11 =	sor.u32 s30, s15  }
0xf: {  	s15 =	smulhi.u32 $0x51EB851F, s11  }
0x10: {  	s14 =	smulhi.u32 $0x51EB851F, s14  }
0x11: {  	s15 =	sshrl.u32 s15, $0x14  }
0x12: {  	s14 =	sshrl.u32 s14, $0x14;
	s15 =	smul.u32 $0x320000, s15  }
0x13: {  	[tilespmem:s12+$0xFFFFFFFC ss:$0x81] =	vst.msk $0xffff, v1;
	s14 =	sand.u32 $0xF, s14  }
0x14: {  	[tilespmem:s12+$0xFFFFFFFD ss:$0x81] =	vst.msk $0xffff, v2;
	s14 =	smul.u32 $0x64000, s14;
	s11 =	ssub.s32 s11, s15  }
0x15: {  	[tilespmem:s12+$0xFFFFFFFE ss:$0x81] =	vst.msk $0xffff, v0;
	s15 =	sand.u32 $0x7, s11  }
0x16: {  	[tilespmem:s12+$0xFFFFFFFF ss:$0x81] =	vst.msk $0xffff, v4;
	s14 =	sadd.s32 s2, s14;
	s11 =	sshrl.u32 s11, $0x3;
	s15 =	sshll.u32 s15, $0x12  }
0x17: {  	[tilespmem:s12+$0xFFFFFFF9 ss:$0x81] =	vst.msk $0xffff, v3;
	s11 =	sadd.s32 s11, s14;
	s31 =	sor.u32 $0x400, s15  }
0x18: {  	[hbm4b:s11+s31] =	stream.strided.scatter [tilespmem:s13], [sflag:$0x2], $0x800, s8, s31, $0x20;
	[tilespmem:$0x2020] =	vst v63  }
.LBB1_5:
0x19: {  	s13 =	sadd.s32 $0x1000, s9  }
0x1a: {  	p2 =	sgt.s32 s13, $0x31FFFF  }
0x1b: {  	s13 =	smov.u32 @p2 s3;
	p2 =	sne.s32 s10, s7  }
.Ltmp1:
0x1c: {  	p1 =	slt.u32 s10, $0x2;
	(pc) =	sbr.rel @!p2 .LBB1_6-.Ltmp1, $4  }
0x1d: {  	s12 =	simm.s32 @!p1 $0x2  }
0x1e: {  	s14 =	sadd.s32 $0x1, s10;
	_ =	swait.ge @!p1 [sflag:s12], $0x800  }
0x1f: {  	s11 =	smov.u32 s9;
	p0 =	por !p0, !p0;
	[sflag:s12] =	ssyncset.done @!p1 $0x0  }
0x20: {  	s10 =	smov.u32 s14;
	s9 =	smov.u32 s13;
	[sflag:s12] =	ssyncadd.s32 @!p1 $0xFFFFF800  }
.LBB1_1:
0x21: {  	p1 =	sge.u32 s10, s6  }
0x22: {  	s12 =	sand.u32 @!p1 $0x1FFFFFF, s9  }
0x23: {  	s13 =	smulhi.u32 @!p1 $0x147AE15, s12;
	_ =	sdelay $0x1  }
0x24: {  	s13 =	sshrl.u32 @!p1 s13, $0xE  }
0x25: {  	s13 =	smul.u32 @!p1 $0x320000, s13;
	_ =	sdelay $0x1  }
0x26: {  	s31 =	sadd.s32 $0xFFFFFFFF, s10;
	s14 =	sxor.u32 @!p1 $0xFFFFFFFF, s10;
	s12 =	ssub.s32 @!p1 s12, s13  }
0x27: {  	s15 =	simm.s32 @!p1 $0x80;
	s14 =	sshll.u32 @!p1 s14, $0xB;
	s12 =	sshll.u32 @!p1 s12, $0x4  }
0x28: {  	s13 =	sand.u32 @!p1 $0x800, s14;
	s14 =	simm.s32 @!p1 $0x10;
	s12 =	sadd.s32 @!p1 s4, s12  }
0x29: {  	[tilespmem:s13], [sflag:$0x1] =	stream.strided.gather @!p1 [hbm4b:s12+s14], $0x800, s15, s14, $0x38;
	[tilespmem:$0x2020] =	vst v63  }
0x2a: {  	p1 =	sge.u32 s31, s6  }
.Ltmp2:
0x2b: {  	_ = 	snop;
	(pc) =	sbr.rel @p1 .LBB1_5-.Ltmp2, $1  }
0x2c: {  	_ =	sdelay $0x3  }
0x2d: {  	s12 =	simm.s32 $0x1  }
0x2e: {  	_ =	swait.ge [sflag:s5], $0x800;
	s12 =	simm.s32 @!p0 $0x0  }
0x2f: {  	[sflag:s5] =	ssyncset.done $0x0;
	s13 =	sshll.u32 s12, $0xB  }
0x30: {  	[sflag:s5] =	ssyncadd.s32 $0xFFFFF800;
	s15 =	sor.u32 $0x40, s13  }
0x31: {  	v3 =	vld [tilespmem:s15+$0x30]  }
0x32: {  	s12 =	smul.u32 $0x2040, s12;
	v4 =	vld [tilespmem:s15+$0xFFFFFFD0]  }
0x33: {  	v5 =	vld [tilespmem:s15+$0xFFFFFFE0]  }
0x34: {  	s31 =	sand.u32 $0x1, s10;
	s12 =	sshrl.u32 s12, $0x2;
	v1 =	vld [tilespmem:s15+$0xFFFFFFF0]  }
0x35: {  	s13 =	smul.u32 $0x2040, s31;
	v2 =	vld [tilespmem:s15+$0x0];
	s12 =	sor.u32 $0x1007, s12  }
0x36: {  	v0 =	vld [tilespmem:s15+$0x10];
	[tilespmem:s12+$0x0 ss:$0x81] =	vst.msk $0xffff, v3  }
0x37: {  	s13 =	sshrl.u32 s13, $0x2;
	[tilespmem:s12+$0xFFFFFFFA ss:$0x81] =	vst.msk $0xffff, v4;
	v4 =	vld [tilespmem:s15+$0x20]  }
0x38: {  	s14 =	simm.s32 $0x0;
	s13 =	sor.u32 $0x1000, s13;
	v3 =	vld [tilespmem:s15+$0xFFFFFFC0];
	[tilespmem:s12+$0xFFFFFFFB ss:$0x81] =	vst.msk $0xffff, v5;
	s15 =	sadd.s32 $0x80, s15  }
.LBB1_3:
0x39: {  	v5 =	vld [tilespmem:s15+$0x30];
	s14 =	sadd.s32 $0x8, s14;
	[tilespmem:s12+$0xFFFFFFFC ss:$0x81] =	vst.msk $0xffff, v1  }
0x3a: {  	v6 =	vld [tilespmem:s15+$0xFFFFFFD0];
	p1 =	slt.u32 s14, $0x78;
	[tilespmem:s12+$0xFFFFFFFD ss:$0x81] =	vst.msk $0xffff, v2  }
0x3b: {  	v7 =	vld [tilespmem:s15+$0xFFFFFFE0];
	[tilespmem:s12+$0xFFFFFFFE ss:$0x81] =	vst.msk $0xffff, v0  }
.Ltmp3:
0x3c: {  	v1 =	vld [tilespmem:s15+$0xFFFFFFF0];
	[tilespmem:s12+$0xFFFFFFFF ss:$0x81] =	vst.msk $0xffff, v4;
	(pc) =	sbr.rel @p1 .LBB1_3-.Ltmp3, $4  }
0x3d: {  	v2 =	vld [tilespmem:s15+$0x0];
	[tilespmem:s12+$0xFFFFFFF9 ss:$0x81] =	vst.msk $0xffff, v3;
	s12 =	sadd.s32 $0x8, s12  }
0x3e: {  	v0 =	vld [tilespmem:s15+$0x10];
	[tilespmem:s12+$0x0 ss:$0x81] =	vst.msk $0xffff, v5  }
0x3f: {  	[tilespmem:s12+$0xFFFFFFFA ss:$0x81] =	vst.msk $0xffff, v6;
	v4 =	vld [tilespmem:s15+$0x20]  }
0x40: {  	v3 =	vld [tilespmem:s15+$0xFFFFFFC0];
	[tilespmem:s12+$0xFFFFFFFB ss:$0x81] =	vst.msk $0xffff, v7;
	s15 =	sadd.s32 $0x80, s15  }
.Ltmp4:
0x41: {  	_ = 	snop;
	(pc) =	sbr.rel .LBB1_4-.Ltmp4, $1  }
0x42: {  	_ =	sdelay $0x3  }
.LBB1_6:
0x43: {  	_ =	sfence.sel $0x180000  }
0x44: {  	s2 =	simm.s32 $0x1;
	[bflag:$0x0] =	sbarrier.arrive $0xFFFF  }
0x45: {  	s31 =	simm.s32 $0x2;
	[sflag:s2] =	ssyncpa.u1 $0x1  }
0x46: {  	[sflag:s31] =	ssyncpa.u1 $0x1  }
0x47: {  	p0 =	sne.s32 s0, $0x0;
	_ =	strace $0x9000004A  }
0x48: {  	s0 =	sadd.s32 @!p0 $0x100000, s1;
	[bflag:$0x2] =	sbarrier.arrive $0xFFFF  }
0x49: {  	[sflag:s0] =	ssyncadd.tile.s32 @!p0 $0x1;
	_ =	shalt  }
.Lfunc_end1:
_tile_overlayer_lowered:
.L_overlay_start_2:
0x4a: {  	(tag) =	ssettag $0x2  }
0x4b: {  	s0 =	rddreg [dreg:$0x0];
	s2 =	stileid.u32  }
0x4c: {  	s1 =	rddreg [dreg:$0x1];
	p0 =	sne.s32 s2, $0x0  }
0x4d: {  	s3 =	rddreg [dreg:$0x2];
	[bflag:$0x3] =	sbarrier.arrive $0xFFFF;
	s2 =	simm.s32 @!p0 $0x1C01  }
0x4e: {  	[timem:s3], [sflag:s2] =	dma.local @!p0 [hbm:s0], s1  }
0x4f: {  	s0 =	simm.s32 @!p0 $0x1  }
0x50: {  	_ =	swait.ge @!p0 [sflag:s0], s1  }
0x51: {  	s1 =	ssub.s32 @!p0 $0x0, s1;
	[sflag:s0] =	ssyncset.done @!p0 $0x0  }
0x52: {  	[sflag:s0] =	ssyncadd.s32 @!p0 s1  }
0x53: {  	[bflag:$0x3] =	sbarrier.arrive $0xFFFF  }
0x54: {  	_ =	shalt  }

</sc_bundles>
